<compile_context>
chip_gen: v7x
topology: tpu7x:2x2x1
jax: 0.10.2.dev20260603
libtpu: 0.0.44.dev20260713+nightly
codegen_flags: <defaults>
</compile_context>

<pallas_src>
import jax
import jax.numpy as jnp
from jax import lax
from jax.experimental import pallas as pl
from jax.experimental.pallas import tpu as pltpu
from jax.experimental.pallas import tpu_sc as plsc

N = 10000
E = 160000
D = 256
H = 128
NT = 16
EPT = E // NT
B = 80
NB = EPT // B
CH = 25
NCH = NB // CH
NPAD = 10240
RPT = NPAD // NT
DPT = NPAD // NT

def _mesh():
    return plsc.VectorSubcoreMesh(core_axis_name="c", subcore_axis_name="s",
                                  num_cores=2, num_subcores=NT)


def _deg_body(dst3, deg_out, dst_v, ones_v, zero_v, acc):
    c = lax.axis_index("c")
    s = lax.axis_index("s")
    zv = jnp.zeros((16,), jnp.float32)
    ov = jnp.ones((16,), jnp.float32)
    for i in range(B // 16):
        ones_v[pl.ds(i * 16, 16)] = ov
    for i in range(DPT // 16):
        zero_v[pl.ds(i * 16, 16)] = zv
    pltpu.sync_copy(zero_v, acc.at[pl.ds(s * DPT, DPT)])
    pltpu.sync_copy(dst3.at[s], dst_v)
    plsc.subcore_barrier()
    nb_c = 63 - c

    def body(k, carry):
        kk = k * 2 + c
        pltpu.sync_copy(ones_v, acc.at[dst_v.at[kk]], add=True)
        return carry

    lax.fori_loop(0, nb_c, body, 0)
    plsc.subcore_barrier()
    pltpu.sync_copy(acc.at[pl.ds(s * DPT, DPT)],
                    deg_out.at[c, pl.ds(s * DPT, DPT)])


def _mm_body(x_ref, w_ref, deg_ref, h0_ref, h1_ref):
    h = jax.lax.dot_general(x_ref[...], w_ref[...],
                            (((1,), (1,)), ((), ())),
                            preferred_element_type=jnp.float32)
    deg = deg_ref[0] + deg_ref[1] + 1.0
    dis = jax.lax.rsqrt(deg)
    hp = h * dis
    h0_ref[...] = hp[:, :H]
    h1_ref[...] = hp[:, H:]


def _prop_body(h0, h1, src4, dst4, out, src_v, dst_v, rows_a, rows_b, sem,
               sem_s, acc):
    c = lax.axis_index("c")
    s = lax.axis_index("s")

    def run(hc, cc):
        pltpu.sync_copy(hc.at[pl.ds(s * RPT, RPT)],
                        acc.at[pl.ds(s * RPT, RPT)])
        plsc.subcore_barrier()

        def gather(k, buf):
            pltpu.async_copy(hc.at[src_v.at[k]], buf, sem)

        def drain_g(buf):
            pltpu.make_async_copy(hc.at[src_v.at[0]], buf, sem).wait()

        def scat(k, buf):
            pltpu.async_copy(buf, acc.at[dst_v.at[k]], sem_s, add=True)

        def drain_s(buf):
            pltpu.make_async_copy(buf, acc.at[dst_v.at[0]], sem_s).wait()

        def chunk(ci, carry):
            pltpu.sync_copy(src4.at[s, ci], src_v)
            pltpu.sync_copy(dst4.at[s, ci], dst_v)
            gather(0, rows_a)

            def body(g, carry2):
                k0 = g * 2
                drain_g(rows_a)

                @pl.when(k0 + 1 < CH)
                def _():
                    @pl.when(k0 > 0)
                    def _():
                        drain_s(rows_b)

                    gather(k0 + 1, rows_b)

                scat(k0, rows_a)

                @pl.when(k0 + 1 < CH)
                def _():
                    drain_g(rows_b)
                    drain_s(rows_a)

                    @pl.when(k0 + 2 < CH)
                    def _():
                        gather(k0 + 2, rows_a)

                    scat(k0 + 1, rows_b)

                return carry2

            lax.fori_loop(0, (CH + 1) // 2, body, 0)
            drain_s(rows_b)
            drain_s(rows_a)
            return carry

        lax.fori_loop(0, NCH, chunk, 0)
        plsc.subcore_barrier()
        pltpu.sync_copy(acc.at[pl.ds(s * RPT, RPT)],
                        out.at[cc, pl.ds(s * RPT, RPT)])

    @pl.when(c == 0)
    def _():
        run(h0, 0)

    @pl.when(c == 1)
    def _():
        run(h1, 1)


def _ln_body(o_ref, deg_ref, b_ref, lw_ref, lb_ref, out_ref):
    deg = deg_ref[0] + deg_ref[1] + 1.0
    dis = jax.lax.rsqrt(deg)
    pre = jnp.concatenate([o_ref[0] * dis, o_ref[1] * dis], axis=-1)
    pre = pre + b_ref[...]
    mu = jnp.mean(pre, axis=-1, keepdims=True)
    var = jnp.mean((pre - mu) ** 2, axis=-1, keepdims=True)
    out_ref[...] = (pre - mu) * jax.lax.rsqrt(var + 1e-5) * lw_ref[...] \
        + lb_ref[...]


def kernel(x, edge_index, W, b, ln_w, ln_b):
    ei = edge_index.astype(jnp.int32)
    src3 = ei[0].reshape(NT, NB, B)
    dst3 = ei[1].reshape(NT, NB, B)
    src4 = ei[0].reshape(NT, NCH, CH, B)
    dst4 = ei[1].reshape(NT, NCH, CH, B)

    deg2 = pl.kernel(
        _deg_body,
        out_type=jax.ShapeDtypeStruct((2, NPAD), jnp.float32),
        mesh=_mesh(),
        scratch_types=[
            pltpu.VMEM((NB, B), jnp.int32),
            pltpu.VMEM((B,), jnp.float32),
            pltpu.VMEM((DPT,), jnp.float32),
            pltpu.VMEM_SHARED((NPAD,), jnp.float32),
        ],
    )(dst3)
    deg3 = deg2.reshape(2, NPAD, 1)

    grid = 10
    BR = 1024
    h0, h1 = pl.pallas_call(
        _mm_body,
        grid=(grid,),
        in_specs=[
            pl.BlockSpec((BR, D), lambda i: (i, 0)),
            pl.BlockSpec((D, D), lambda i: (0, 0)),
            pl.BlockSpec((2, BR, 1), lambda i: (0, i, 0)),
        ],
        out_specs=[
            pl.BlockSpec((BR, H), lambda i: (i, 0)),
            pl.BlockSpec((BR, H), lambda i: (i, 0)),
        ],
        out_shape=[
            jax.ShapeDtypeStruct((NPAD, H), jnp.float32),
            jax.ShapeDtypeStruct((NPAD, H), jnp.float32),
        ],
    )(x, W, deg3)

    out01 = pl.kernel(
        _prop_body,
        out_type=jax.ShapeDtypeStruct((2, NPAD, H), jnp.float32),
        mesh=_mesh(),
        scratch_types=[
            pltpu.VMEM((CH, B), jnp.int32),
            pltpu.VMEM((CH, B), jnp.int32),
            pltpu.VMEM((B, H), jnp.float32),
            pltpu.VMEM((B, H), jnp.float32),
            pltpu.SemaphoreType.DMA,
            pltpu.SemaphoreType.DMA,
            pltpu.VMEM_SHARED((NPAD, H), jnp.float32),
        ],
    )(h0, h1, src4, dst4)

    out = pl.pallas_call(
        _ln_body,
        grid=(grid,),
        in_specs=[
            pl.BlockSpec((2, BR, H), lambda i: (0, i, 0)),
            pl.BlockSpec((2, BR, 1), lambda i: (0, i, 0)),
            pl.BlockSpec((1, D), lambda i: (0, 0)),
            pl.BlockSpec((1, D), lambda i: (0, 0)),
            pl.BlockSpec((1, D), lambda i: (0, 0)),
        ],
        out_specs=pl.BlockSpec((BR, D), lambda i: (i, 0)),
        out_shape=jax.ShapeDtypeStruct((N, D), jnp.float32),
    )(out01, deg3, b.reshape(1, D), ln_w.reshape(1, D), ln_b.reshape(1, D))
    return out

# --- scband reference (transcript-rebuilt; emitter-appended) ---
"""Pipeline reference for scband-general-conv-78503412236431 (READ-ONLY COPY).

The authoritative reference and input builder live on the scoring server;
editing this copy changes nothing except your own understanding.
"""

import jax, jax.numpy as jnp
import numpy as np

N_NODES = 10000
N_EDGES = 160000
D_IN = 256
D_OUT = 256


def setup_inputs(seed: int = 0) -> dict:
    key = jax.random.key(seed)
    k1, k2, k3, k4 = jax.random.split(key, 4)
    x = jax.random.normal(k1, (N_NODES, D_IN), dtype=jnp.float32)
    edge_index = jax.random.randint(k2, (2, N_EDGES), 0, N_NODES, dtype=jnp.int64)
    # GCNConv linear weight (glorot) and bias (zeros in PyG, use small random here)
    limit = float(np.sqrt(6.0 / (D_IN + D_OUT)))
    W = jax.random.uniform(k3, (D_OUT, D_IN), minval=-limit, maxval=limit, dtype=jnp.float32)
    b = jnp.zeros((D_OUT,), dtype=jnp.float32)
    # LayerNorm affine params
    ln_w = jnp.ones((D_OUT,), dtype=jnp.float32)
    ln_b = jnp.zeros((D_OUT,), dtype=jnp.float32)
    return {"x": x, "edge_index": edge_index, "W": W, "b": b, "ln_w": ln_w, "ln_b": ln_b}


def reference(x, edge_index, W, b, ln_w, ln_b):
    N = x.shape[0]
    src = edge_index[0]
    dst = edge_index[1]
    # add self loops (add_self_loops=True in GCNConv)
    loop = jnp.arange(N, dtype=src.dtype)
    src = jnp.concatenate([src, loop])
    dst = jnp.concatenate([dst, loop])
    ew = jnp.ones((src.shape[0],), dtype=x.dtype)
    # symmetric normalization: deg over dst
    deg = jnp.zeros((N,), dtype=x.dtype).at[dst].add(ew)
    deg_inv_sqrt = jnp.where(deg > 0, deg ** -0.5, 0.0)
    norm = deg_inv_sqrt[src] * ew * deg_inv_sqrt[dst]
    # linear transform then propagate
    h = x @ W.T
    msg = jnp.take(h, src, axis=0) * norm[:, None]
    out = jnp.zeros((N, h.shape[1]), dtype=x.dtype).at[dst].add(msg)
    out = out + b
    # LayerNorm(out_channels)
    mu = jnp.mean(out, axis=-1, keepdims=True)
    var = jnp.mean((out - mu) ** 2, axis=-1, keepdims=True)
    out = (out - mu) / jnp.sqrt(var + 1e-5) * ln_w + ln_b
    return out

if __name__ == "__main__":
    import jax
    _d = setup_inputs()
    print(jax.jit(kernel)(*tuple(_d.values())))

</pallas_src>

<mosaic_0001>
#map = affine_map<(d0, d1) -> (0, 0, 0)>
#map1 = affine_map<(d0, d1) -> (0, 0)>
module attributes {stable_mosaic.version = 14 : i64} {
  func.func @_deg_body(%arg0: i32, %arg1: i32, %arg2: memref<16x125x80xi32, #tpu.memory_space<hbm>>, %arg3: memref<2x10240xf32, #tpu.memory_space<hbm>>, %arg4: memref<125x80xi32, #tpu.memory_space<vmem>>, %arg5: memref<80xf32, #tpu.memory_space<vmem>>, %arg6: memref<640xf32, #tpu.memory_space<vmem>>, %arg7: memref<10240xf32, #tpu.memory_space<vmem_shared>>) attributes {dimension_semantics = [#tpu.dimension_semantics<core_parallel>, #tpu.dimension_semantics<subcore_parallel>], iteration_bounds = array<i64: 2, 16>, scalar_prefetch = 0 : i64, scratch_operands = 4 : i64, tpu.core_type = #tpu.core_type<sc_vector_subcore>, window_params = [{transform_indices = #map}, {transform_indices = #map1}]} {
    %broadcast_in_dim3A = arith.constant 0.000000e+00 : f32
    %broadcast_in_dim3A_0 = vector.broadcast %broadcast_in_dim3A : f32 to vector<16xf32>
    %broadcast_in_dim3A_1 = arith.constant 1.000000e+00 : f32
    %broadcast_in_dim3A_2 = vector.broadcast %broadcast_in_dim3A_1 : f32 to vector<16xf32>
    %swap3A = arith.constant 0 : index
    %swap3A_3 = tpu.vector_load %arg5[%swap3A] {strides = array<i32>} : memref<80xf32, #tpu.memory_space<vmem>>, vector<16xf32>,
    %swap3A_4 = vector.shape_cast %swap3A_3 : vector<16xf32> to vector<16xf32>
    %swap3A_5 = vector.shape_cast %broadcast_in_dim3A_2 : vector<16xf32> to vector<16xf32>
    tpu.vector_store %arg5[%swap3A], %swap3A_5 {strides = array<i32>} : memref<80xf32, #tpu.memory_space<vmem>>, vector<16xf32>,
    %swap3A_6 = arith.constant 16 : index
    %swap3A_7 = tpu.vector_load %arg5[%swap3A_6] {strides = array<i32>} : memref<80xf32, #tpu.memory_space<vmem>>, vector<16xf32>,
    %swap3A_8 = vector.shape_cast %swap3A_7 : vector<16xf32> to vector<16xf32>
    %swap3A_9 = vector.shape_cast %broadcast_in_dim3A_2 : vector<16xf32> to vector<16xf32>
    tpu.vector_store %arg5[%swap3A_6], %swap3A_9 {strides = array<i32>} : memref<80xf32, #tpu.memory_space<vmem>>, vector<16xf32>,
    %swap3A_10 = arith.constant 32 : index
    %swap3A_11 = tpu.vector_load %arg5[%swap3A_10] {strides = array<i32>} : memref<80xf32, #tpu.memory_space<vmem>>, vector<16xf32>,
    %swap3A_12 = vector.shape_cast %swap3A_11 : vector<16xf32> to vector<16xf32>
    %swap3A_13 = vector.shape_cast %broadcast_in_dim3A_2 : vector<16xf32> to vector<16xf32>
    tpu.vector_store %arg5[%swap3A_10], %swap3A_13 {strides = array<i32>} : memref<80xf32, #tpu.memory_space<vmem>>, vector<16xf32>,
    %swap3A_14 = arith.constant 48 : index
    %swap3A_15 = tpu.vector_load %arg5[%swap3A_14] {strides = array<i32>} : memref<80xf32, #tpu.memory_space<vmem>>, vector<16xf32>,
    %swap3A_16 = vector.shape_cast %swap3A_15 : vector<16xf32> to vector<16xf32>
    %swap3A_17 = vector.shape_cast %broadcast_in_dim3A_2 : vector<16xf32> to vector<16xf32>
    tpu.vector_store %arg5[%swap3A_14], %swap3A_17 {strides = array<i32>} : memref<80xf32, #tpu.memory_space<vmem>>, vector<16xf32>,
    %swap3A_18 = arith.constant 64 : index
    %swap3A_19 = tpu.vector_load %arg5[%swap3A_18] {strides = array<i32>} : memref<80xf32, #tpu.memory_space<vmem>>, vector<16xf32>,
    %swap3A_20 = vector.shape_cast %swap3A_19 : vector<16xf32> to vector<16xf32>
    %swap3A_21 = vector.shape_cast %broadcast_in_dim3A_2 : vector<16xf32> to vector<16xf32>
    tpu.vector_store %arg5[%swap3A_18], %swap3A_21 {strides = array<i32>} : memref<80xf32, #tpu.memory_space<vmem>>, vector<16xf32>,
    %swap3A_22 = arith.constant 0 : index
    %swap3A_23 = tpu.vector_load %arg6[%swap3A_22] {strides = array<i32>} : memref<640xf32, #tpu.memory_space<vmem>>, vector<16xf32>,
    %swap3A_24 = vector.shape_cast %swap3A_23 : vector<16xf32> to vector<16xf32>
    %swap3A_25 = vector.shape_cast %broadcast_in_dim3A_0 : vector<16xf32> to vector<16xf32>
    tpu.vector_store %arg6[%swap3A_22], %swap3A_25 {strides = array<i32>} : memref<640xf32, #tpu.memory_space<vmem>>, vector<16xf32>,
    %swap3A_26 = arith.constant 16 : index
    %swap3A_27 = tpu.vector_load %arg6[%swap3A_26] {strides = array<i32>} : memref<640xf32, #tpu.memory_space<vmem>>, vector<16xf32>,
    %swap3A_28 = vector.shape_cast %swap3A_27 : vector<16xf32> to vector<16xf32>
    %swap3A_29 = vector.shape_cast %broadcast_in_dim3A_0 : vector<16xf32> to vector<16xf32>
    tpu.vector_store %arg6[%swap3A_26], %swap3A_29 {strides = array<i32>} : memref<640xf32, #tpu.memory_space<vmem>>, vector<16xf32>,
    %swap3A_30 = arith.constant 32 : index
    %swap3A_31 = tpu.vector_load %arg6[%swap3A_30] {strides = array<i32>} : memref<640xf32, #tpu.memory_space<vmem>>, vector<16xf32>,
    %swap3A_32 = vector.shape_cast %swap3A_31 : vector<16xf32> to vector<16xf32>
    %swap3A_33 = vector.shape_cast %broadcast_in_dim3A_0 : vector<16xf32> to vector<16xf32>
    tpu.vector_store %arg6[%swap3A_30], %swap3A_33 {strides = array<i32>} : memref<640xf32, #tpu.memory_space<vmem>>, vector<16xf32>,
    %swap3A_34 = arith.constant 48 : index
    %swap3A_35 = tpu.vector_load %arg6[%swap3A_34] {strides = array<i32>} : memref<640xf32, #tpu.memory_space<vmem>>, vector<16xf32>,
    %swap3A_36 = vector.shape_cast %swap3A_35 : vector<16xf32> to vector<16xf32>
    %swap3A_37 = vector.shape_cast %broadcast_in_dim3A_0 : vector<16xf32> to vector<16xf32>
    tpu.vector_store %arg6[%swap3A_34], %swap3A_37 {strides = array<i32>} : memref<640xf32, #tpu.memory_space<vmem>>, vector<16xf32>,
    %swap3A_38 = arith.constant 64 : index
    %swap3A_39 = tpu.vector_load %arg6[%swap3A_38] {strides = array<i32>} : memref<640xf32, #tpu.memory_space<vmem>>, vector<16xf32>,
    %swap3A_40 = vector.shape_cast %swap3A_39 : vector<16xf32> to vector<16xf32>
    %swap3A_41 = vector.shape_cast %broadcast_in_dim3A_0 : vector<16xf32> to vector<16xf32>
    tpu.vector_store %arg6[%swap3A_38], %swap3A_41 {strides = array<i32>} : memref<640xf32, #tpu.memory_space<vmem>>, vector<16xf32>,
    %swap3A_42 = arith.constant 80 : index
    %swap3A_43 = tpu.vector_load %arg6[%swap3A_42] {strides = array<i32>} : memref<640xf32, #tpu.memory_space<vmem>>, vector<16xf32>,
    %swap3A_44 = vector.shape_cast %swap3A_43 : vector<16xf32> to vector<16xf32>
    %swap3A_45 = vector.shape_cast %broadcast_in_dim3A_0 : vector<16xf32> to vector<16xf32>
    tpu.vector_store %arg6[%swap3A_42], %swap3A_45 {strides = array<i32>} : memref<640xf32, #tpu.memory_space<vmem>>, vector<16xf32>,
    %swap3A_46 = arith.constant 96 : index
    %swap3A_47 = tpu.vector_load %arg6[%swap3A_46] {strides = array<i32>} : memref<640xf32, #tpu.memory_space<vmem>>, vector<16xf32>,
    %swap3A_48 = vector.shape_cast %swap3A_47 : vector<16xf32> to vector<16xf32>
    %swap3A_49 = vector.shape_cast %broadcast_in_dim3A_0 : vector<16xf32> to vector<16xf32>
    tpu.vector_store %arg6[%swap3A_46], %swap3A_49 {strides = array<i32>} : memref<640xf32, #tpu.memory_space<vmem>>, vector<16xf32>,
    %swap3A_50 = arith.constant 112 : index
    %swap3A_51 = tpu.vector_load %arg6[%swap3A_50] {strides = array<i32>} : memref<640xf32, #tpu.memory_space<vmem>>, vector<16xf32>,
    %swap3A_52 = vector.shape_cast %swap3A_51 : vector<16xf32> to vector<16xf32>
    %swap3A_53 = vector.shape_cast %broadcast_in_dim3A_0 : vector<16xf32> to vector<16xf32>
    tpu.vector_store %arg6[%swap3A_50], %swap3A_53 {strides = array<i32>} : memref<640xf32, #tpu.memory_space<vmem>>, vector<16xf32>,
    %swap3A_54 = arith.constant 128 : index
    %swap3A_55 = tpu.vector_load %arg6[%swap3A_54] {strides = array<i32>} : memref<640xf32, #tpu.memory_space<vmem>>, vector<16xf32>,
    %swap3A_56 = vector.shape_cast %swap3A_55 : vector<16xf32> to vector<16xf32>
    %swap3A_57 = vector.shape_cast %broadcast_in_dim3A_0 : vector<16xf32> to vector<16xf32>
    tpu.vector_store %arg6[%swap3A_54], %swap3A_57 {strides = array<i32>} : memref<640xf32, #tpu.memory_space<vmem>>, vector<16xf32>,
    %swap3A_58 = arith.constant 144 : index
    %swap3A_59 = tpu.vector_load %arg6[%swap3A_58] {strides = array<i32>} : memref<640xf32, #tpu.memory_space<vmem>>, vector<16xf32>,
    %swap3A_60 = vector.shape_cast %swap3A_59 : vector<16xf32> to vector<16xf32>
    %swap3A_61 = vector.shape_cast %broadcast_in_dim3A_0 : vector<16xf32> to vector<16xf32>
    tpu.vector_store %arg6[%swap3A_58], %swap3A_61 {strides = array<i32>} : memref<640xf32, #tpu.memory_space<vmem>>, vector<16xf32>,
    %swap3A_62 = arith.constant 160 : index
    %swap3A_63 = tpu.vector_load %arg6[%swap3A_62] {strides = array<i32>} : memref<640xf32, #tpu.memory_space<vmem>>, vector<16xf32>,
    %swap3A_64 = vector.shape_cast %swap3A_63 : vector<16xf32> to vector<16xf32>
    %swap3A_65 = vector.shape_cast %broadcast_in_dim3A_0 : vector<16xf32> to vector<16xf32>
    tpu.vector_store %arg6[%swap3A_62], %swap3A_65 {strides = array<i32>} : memref<640xf32, #tpu.memory_space<vmem>>, vector<16xf32>,
    %swap3A_66 = arith.constant 176 : index
    %swap3A_67 = tpu.vector_load %arg6[%swap3A_66] {strides = array<i32>} : memref<640xf32, #tpu.memory_space<vmem>>, vector<16xf32>,
    %swap3A_68 = vector.shape_cast %swap3A_67 : vector<16xf32> to vector<16xf32>
    %swap3A_69 = vector.shape_cast %broadcast_in_dim3A_0 : vector<16xf32> to vector<16xf32>
    tpu.vector_store %arg6[%swap3A_66], %swap3A_69 {strides = array<i32>} : memref<640xf32, #tpu.memory_space<vmem>>, vector<16xf32>,
    %swap3A_70 = arith.constant 192 : index
    %swap3A_71 = tpu.vector_load %arg6[%swap3A_70] {strides = array<i32>} : memref<640xf32, #tpu.memory_space<vmem>>, vector<16xf32>,
    %swap3A_72 = vector.shape_cast %swap3A_71 : vector<16xf32> to vector<16xf32>
    %swap3A_73 = vector.shape_cast %broadcast_in_dim3A_0 : vector<16xf32> to vector<16xf32>
    tpu.vector_store %arg6[%swap3A_70], %swap3A_73 {strides = array<i32>} : memref<640xf32, #tpu.memory_space<vmem>>, vector<16xf32>,
    %swap3A_74 = arith.constant 208 : index
    %swap3A_75 = tpu.vector_load %arg6[%swap3A_74] {strides = array<i32>} : memref<640xf32, #tpu.memory_space<vmem>>, vector<16xf32>,
    %swap3A_76 = vector.shape_cast %swap3A_75 : vector<16xf32> to vector<16xf32>
    %swap3A_77 = vector.shape_cast %broadcast_in_dim3A_0 : vector<16xf32> to vector<16xf32>
    tpu.vector_store %arg6[%swap3A_74], %swap3A_77 {strides = array<i32>} : memref<640xf32, #tpu.memory_space<vmem>>, vector<16xf32>,
    %swap3A_78 = arith.constant 224 : index
    %swap3A_79 = tpu.vector_load %arg6[%swap3A_78] {strides = array<i32>} : memref<640xf32, #tpu.memory_space<vmem>>, vector<16xf32>,
    %swap3A_80 = vector.shape_cast %swap3A_79 : vector<16xf32> to vector<16xf32>
    %swap3A_81 = vector.shape_cast %broadcast_in_dim3A_0 : vector<16xf32> to vector<16xf32>
    tpu.vector_store %arg6[%swap3A_78], %swap3A_81 {strides = array<i32>} : memref<640xf32, #tpu.memory_space<vmem>>, vector<16xf32>,
    %swap3A_82 = arith.constant 240 : index
    %swap3A_83 = tpu.vector_load %arg6[%swap3A_82] {strides = array<i32>} : memref<640xf32, #tpu.memory_space<vmem>>, vector<16xf32>,
    %swap3A_84 = vector.shape_cast %swap3A_83 : vector<16xf32> to vector<16xf32>
    %swap3A_85 = vector.shape_cast %broadcast_in_dim3A_0 : vector<16xf32> to vector<16xf32>
    tpu.vector_store %arg6[%swap3A_82], %swap3A_85 {strides = array<i32>} : memref<640xf32, #tpu.memory_space<vmem>>, vector<16xf32>,
    %swap3A_86 = arith.constant 256 : index
    %swap3A_87 = tpu.vector_load %arg6[%swap3A_86] {strides = array<i32>} : memref<640xf32, #tpu.memory_space<vmem>>, vector<16xf32>,
    %swap3A_88 = vector.shape_cast %swap3A_87 : vector<16xf32> to vector<16xf32>
    %swap3A_89 = vector.shape_cast %broadcast_in_dim3A_0 : vector<16xf32> to vector<16xf32>
    tpu.vector_store %arg6[%swap3A_86], %swap3A_89 {strides = array<i32>} : memref<640xf32, #tpu.memory_space<vmem>>, vector<16xf32>,
    %swap3A_90 = arith.constant 272 : index
    %swap3A_91 = tpu.vector_load %arg6[%swap3A_90] {strides = array<i32>} : memref<640xf32, #tpu.memory_space<vmem>>, vector<16xf32>,
    %swap3A_92 = vector.shape_cast %swap3A_91 : vector<16xf32> to vector<16xf32>
    %swap3A_93 = vector.shape_cast %broadcast_in_dim3A_0 : vector<16xf32> to vector<16xf32>
    tpu.vector_store %arg6[%swap3A_90], %swap3A_93 {strides = array<i32>} : memref<640xf32, #tpu.memory_space<vmem>>, vector<16xf32>,
    %swap3A_94 = arith.constant 288 : index
    %swap3A_95 = tpu.vector_load %arg6[%swap3A_94] {strides = array<i32>} : memref<640xf32, #tpu.memory_space<vmem>>, vector<16xf32>,
    %swap3A_96 = vector.shape_cast %swap3A_95 : vector<16xf32> to vector<16xf32>
    %swap3A_97 = vector.shape_cast %broadcast_in_dim3A_0 : vector<16xf32> to vector<16xf32>
    tpu.vector_store %arg6[%swap3A_94], %swap3A_97 {strides = array<i32>} : memref<640xf32, #tpu.memory_space<vmem>>, vector<16xf32>,
    %swap3A_98 = arith.constant 304 : index
    %swap3A_99 = tpu.vector_load %arg6[%swap3A_98] {strides = array<i32>} : memref<640xf32, #tpu.memory_space<vmem>>, vector<16xf32>,
    %swap3A_100 = vector.shape_cast %swap3A_99 : vector<16xf32> to vector<16xf32>
    %swap3A_101 = vector.shape_cast %broadcast_in_dim3A_0 : vector<16xf32> to vector<16xf32>
    tpu.vector_store %arg6[%swap3A_98], %swap3A_101 {strides = array<i32>} : memref<640xf32, #tpu.memory_space<vmem>>, vector<16xf32>,
    %swap3A_102 = arith.constant 320 : index
    %swap3A_103 = tpu.vector_load %arg6[%swap3A_102] {strides = array<i32>} : memref<640xf32, #tpu.memory_space<vmem>>, vector<16xf32>,
    %swap3A_104 = vector.shape_cast %swap3A_103 : vector<16xf32> to vector<16xf32>
    %swap3A_105 = vector.shape_cast %broadcast_in_dim3A_0 : vector<16xf32> to vector<16xf32>
    tpu.vector_store %arg6[%swap3A_102], %swap3A_105 {strides = array<i32>} : memref<640xf32, #tpu.memory_space<vmem>>, vector<16xf32>,
    %swap3A_106 = arith.constant 336 : index
    %swap3A_107 = tpu.vector_load %arg6[%swap3A_106] {strides = array<i32>} : memref<640xf32, #tpu.memory_space<vmem>>, vector<16xf32>,
    %swap3A_108 = vector.shape_cast %swap3A_107 : vector<16xf32> to vector<16xf32>
    %swap3A_109 = vector.shape_cast %broadcast_in_dim3A_0 : vector<16xf32> to vector<16xf32>
    tpu.vector_store %arg6[%swap3A_106], %swap3A_109 {strides = array<i32>} : memref<640xf32, #tpu.memory_space<vmem>>, vector<16xf32>,
    %swap3A_110 = arith.constant 352 : index
    %swap3A_111 = tpu.vector_load %arg6[%swap3A_110] {strides = array<i32>} : memref<640xf32, #tpu.memory_space<vmem>>, vector<16xf32>,
    %swap3A_112 = vector.shape_cast %swap3A_111 : vector<16xf32> to vector<16xf32>
    %swap3A_113 = vector.shape_cast %broadcast_in_dim3A_0 : vector<16xf32> to vector<16xf32>
    tpu.vector_store %arg6[%swap3A_110], %swap3A_113 {strides = array<i32>} : memref<640xf32, #tpu.memory_space<vmem>>, vector<16xf32>,
    %swap3A_114 = arith.constant 368 : index
    %swap3A_115 = tpu.vector_load %arg6[%swap3A_114] {strides = array<i32>} : memref<640xf32, #tpu.memory_space<vmem>>, vector<16xf32>,
    %swap3A_116 = vector.shape_cast %swap3A_115 : vector<16xf32> to vector<16xf32>
    %swap3A_117 = vector.shape_cast %broadcast_in_dim3A_0 : vector<16xf32> to vector<16xf32>
    tpu.vector_store %arg6[%swap3A_114], %swap3A_117 {strides = array<i32>} : memref<640xf32, #tpu.memory_space<vmem>>, vector<16xf32>,
    %swap3A_118 = arith.constant 384 : index
    %swap3A_119 = tpu.vector_load %arg6[%swap3A_118] {strides = array<i32>} : memref<640xf32, #tpu.memory_space<vmem>>, vector<16xf32>,
    %swap3A_120 = vector.shape_cast %swap3A_119 : vector<16xf32> to vector<16xf32>
    %swap3A_121 = vector.shape_cast %broadcast_in_dim3A_0 : vector<16xf32> to vector<16xf32>
    tpu.vector_store %arg6[%swap3A_118], %swap3A_121 {strides = array<i32>} : memref<640xf32, #tpu.memory_space<vmem>>, vector<16xf32>,
    %swap3A_122 = arith.constant 400 : index
    %swap3A_123 = tpu.vector_load %arg6[%swap3A_122] {strides = array<i32>} : memref<640xf32, #tpu.memory_space<vmem>>, vector<16xf32>,
    %swap3A_124 = vector.shape_cast %swap3A_123 : vector<16xf32> to vector<16xf32>
    %swap3A_125 = vector.shape_cast %broadcast_in_dim3A_0 : vector<16xf32> to vector<16xf32>
    tpu.vector_store %arg6[%swap3A_122], %swap3A_125 {strides = array<i32>} : memref<640xf32, #tpu.memory_space<vmem>>, vector<16xf32>,
    %swap3A_126 = arith.constant 416 : index
    %swap3A_127 = tpu.vector_load %arg6[%swap3A_126] {strides = array<i32>} : memref<640xf32, #tpu.memory_space<vmem>>, vector<16xf32>,
    %swap3A_128 = vector.shape_cast %swap3A_127 : vector<16xf32> to vector<16xf32>
    %swap3A_129 = vector.shape_cast %broadcast_in_dim3A_0 : vector<16xf32> to vector<16xf32>
    tpu.vector_store %arg6[%swap3A_126], %swap3A_129 {strides = array<i32>} : memref<640xf32, #tpu.memory_space<vmem>>, vector<16xf32>,
    %swap3A_130 = arith.constant 432 : index
    %swap3A_131 = tpu.vector_load %arg6[%swap3A_130] {strides = array<i32>} : memref<640xf32, #tpu.memory_space<vmem>>, vector<16xf32>,
    %swap3A_132 = vector.shape_cast %swap3A_131 : vector<16xf32> to vector<16xf32>
    %swap3A_133 = vector.shape_cast %broadcast_in_dim3A_0 : vector<16xf32> to vector<16xf32>
    tpu.vector_store %arg6[%swap3A_130], %swap3A_133 {strides = array<i32>} : memref<640xf32, #tpu.memory_space<vmem>>, vector<16xf32>,
    %swap3A_134 = arith.constant 448 : index
    %swap3A_135 = tpu.vector_load %arg6[%swap3A_134] {strides = array<i32>} : memref<640xf32, #tpu.memory_space<vmem>>, vector<16xf32>,
    %swap3A_136 = vector.shape_cast %swap3A_135 : vector<16xf32> to vector<16xf32>
    %swap3A_137 = vector.shape_cast %broadcast_in_dim3A_0 : vector<16xf32> to vector<16xf32>
    tpu.vector_store %arg6[%swap3A_134], %swap3A_137 {strides = array<i32>} : memref<640xf32, #tpu.memory_space<vmem>>, vector<16xf32>,
    %swap3A_138 = arith.constant 464 : index
    %swap3A_139 = tpu.vector_load %arg6[%swap3A_138] {strides = array<i32>} : memref<640xf32, #tpu.memory_space<vmem>>, vector<16xf32>,
    %swap3A_140 = vector.shape_cast %swap3A_139 : vector<16xf32> to vector<16xf32>
    %swap3A_141 = vector.shape_cast %broadcast_in_dim3A_0 : vector<16xf32> to vector<16xf32>
    tpu.vector_store %arg6[%swap3A_138], %swap3A_141 {strides = array<i32>} : memref<640xf32, #tpu.memory_space<vmem>>, vector<16xf32>,
    %swap3A_142 = arith.constant 480 : index
    %swap3A_143 = tpu.vector_load %arg6[%swap3A_142] {strides = array<i32>} : memref<640xf32, #tpu.memory_space<vmem>>, vector<16xf32>,
    %swap3A_144 = vector.shape_cast %swap3A_143 : vector<16xf32> to vector<16xf32>
    %swap3A_145 = vector.shape_cast %broadcast_in_dim3A_0 : vector<16xf32> to vector<16xf32>
    tpu.vector_store %arg6[%swap3A_142], %swap3A_145 {strides = array<i32>} : memref<640xf32, #tpu.memory_space<vmem>>, vector<16xf32>,
    %swap3A_146 = arith.constant 496 : index
    %swap3A_147 = tpu.vector_load %arg6[%swap3A_146] {strides = array<i32>} : memref<640xf32, #tpu.memory_space<vmem>>, vector<16xf32>,
    %swap3A_148 = vector.shape_cast %swap3A_147 : vector<16xf32> to vector<16xf32>
    %swap3A_149 = vector.shape_cast %broadcast_in_dim3A_0 : vector<16xf32> to vector<16xf32>
    tpu.vector_store %arg6[%swap3A_146], %swap3A_149 {strides = array<i32>} : memref<640xf32, #tpu.memory_space<vmem>>, vector<16xf32>,
    %swap3A_150 = arith.constant 512 : index
    %swap3A_151 = tpu.vector_load %arg6[%swap3A_150] {strides = array<i32>} : memref<640xf32, #tpu.memory_space<vmem>>, vector<16xf32>,
    %swap3A_152 = vector.shape_cast %swap3A_151 : vector<16xf32> to vector<16xf32>
    %swap3A_153 = vector.shape_cast %broadcast_in_dim3A_0 : vector<16xf32> to vector<16xf32>
    tpu.vector_store %arg6[%swap3A_150], %swap3A_153 {strides = array<i32>} : memref<640xf32, #tpu.memory_space<vmem>>, vector<16xf32>,
    %swap3A_154 = arith.constant 528 : index
    %swap3A_155 = tpu.vector_load %arg6[%swap3A_154] {strides = array<i32>} : memref<640xf32, #tpu.memory_space<vmem>>, vector<16xf32>,
    %swap3A_156 = vector.shape_cast %swap3A_155 : vector<16xf32> to vector<16xf32>
    %swap3A_157 = vector.shape_cast %broadcast_in_dim3A_0 : vector<16xf32> to vector<16xf32>
    tpu.vector_store %arg6[%swap3A_154], %swap3A_157 {strides = array<i32>} : memref<640xf32, #tpu.memory_space<vmem>>, vector<16xf32>,
    %swap3A_158 = arith.constant 544 : index
    %swap3A_159 = tpu.vector_load %arg6[%swap3A_158] {strides = array<i32>} : memref<640xf32, #tpu.memory_space<vmem>>, vector<16xf32>,
    %swap3A_160 = vector.shape_cast %swap3A_159 : vector<16xf32> to vector<16xf32>
    %swap3A_161 = vector.shape_cast %broadcast_in_dim3A_0 : vector<16xf32> to vector<16xf32>
    tpu.vector_store %arg6[%swap3A_158], %swap3A_161 {strides = array<i32>} : memref<640xf32, #tpu.memory_space<vmem>>, vector<16xf32>,
    %swap3A_162 = arith.constant 560 : index
    %swap3A_163 = tpu.vector_load %arg6[%swap3A_162] {strides = array<i32>} : memref<640xf32, #tpu.memory_space<vmem>>, vector<16xf32>,
    %swap3A_164 = vector.shape_cast %swap3A_163 : vector<16xf32> to vector<16xf32>
    %swap3A_165 = vector.shape_cast %broadcast_in_dim3A_0 : vector<16xf32> to vector<16xf32>
    tpu.vector_store %arg6[%swap3A_162], %swap3A_165 {strides = array<i32>} : memref<640xf32, #tpu.memory_space<vmem>>, vector<16xf32>,
    %swap3A_166 = arith.constant 576 : index
    %swap3A_167 = tpu.vector_load %arg6[%swap3A_166] {strides = array<i32>} : memref<640xf32, #tpu.memory_space<vmem>>, vector<16xf32>,
    %swap3A_168 = vector.shape_cast %swap3A_167 : vector<16xf32> to vector<16xf32>
    %swap3A_169 = vector.shape_cast %broadcast_in_dim3A_0 : vector<16xf32> to vector<16xf32>
    tpu.vector_store %arg6[%swap3A_166], %swap3A_169 {strides = array<i32>} : memref<640xf32, #tpu.memory_space<vmem>>, vector<16xf32>,
    %swap3A_170 = arith.constant 592 : index
    %swap3A_171 = tpu.vector_load %arg6[%swap3A_170] {strides = array<i32>} : memref<640xf32, #tpu.memory_space<vmem>>, vector<16xf32>,
    %swap3A_172 = vector.shape_cast %swap3A_171 : vector<16xf32> to vector<16xf32>
    %swap3A_173 = vector.shape_cast %broadcast_in_dim3A_0 : vector<16xf32> to vector<16xf32>
    tpu.vector_store %arg6[%swap3A_170], %swap3A_173 {strides = array<i32>} : memref<640xf32, #tpu.memory_space<vmem>>, vector<16xf32>,
    %swap3A_174 = arith.constant 608 : index
    %swap3A_175 = tpu.vector_load %arg6[%swap3A_174] {strides = array<i32>} : memref<640xf32, #tpu.memory_space<vmem>>, vector<16xf32>,
    %swap3A_176 = vector.shape_cast %swap3A_175 : vector<16xf32> to vector<16xf32>
    %swap3A_177 = vector.shape_cast %broadcast_in_dim3A_0 : vector<16xf32> to vector<16xf32>
    tpu.vector_store %arg6[%swap3A_174], %swap3A_177 {strides = array<i32>} : memref<640xf32, #tpu.memory_space<vmem>>, vector<16xf32>,
    %swap3A_178 = arith.constant 624 : index
    %swap3A_179 = tpu.vector_load %arg6[%swap3A_178] {strides = array<i32>} : memref<640xf32, #tpu.memory_space<vmem>>, vector<16xf32>,
    %swap3A_180 = vector.shape_cast %swap3A_179 : vector<16xf32> to vector<16xf32>
    %swap3A_181 = vector.shape_cast %broadcast_in_dim3A_0 : vector<16xf32> to vector<16xf32>
    tpu.vector_store %arg6[%swap3A_178], %swap3A_181 {strides = array<i32>} : memref<640xf32, #tpu.memory_space<vmem>>, vector<16xf32>,
    %mul3A = arith.constant 640 : i32
    %mul3A_182 = arith.muli %arg1, %mul3A : i32
    "tpu.region"() ({
      %run_scoped3A = tpu.sem_alloc : memref<!tpu.dma_semaphore, #tpu.memory_space<semaphore_mem>>
      %dma_start3A = tpu.memref_slice %arg7[%mul3A_182] : memref<10240xf32, #tpu.memory_space<vmem_shared>> -> memref<640xf32, #tpu.memory_space<vmem_shared>>
      %dma_start3A_198 = tpu.memref_slice %arg7[%mul3A_182] : memref<10240xf32, #tpu.memory_space<vmem_shared>> -> memref<640xf32, #tpu.memory_space<vmem_shared>>
      tpu.enqueue_dma source(%arg6 : memref<640xf32, #tpu.memory_space<vmem>>) target(%dma_start3A_198 : memref<640xf32, #tpu.memory_space<vmem_shared>>) target_semaphore(%run_scoped3A : memref<!tpu.dma_semaphore, #tpu.memory_space<semaphore_mem>>)
      %dma_wait3A = tpu.memref_slice %arg7[%mul3A_182] : memref<10240xf32, #tpu.memory_space<vmem_shared>> -> memref<640xf32, #tpu.memory_space<vmem_shared>>
      %dma_wait3A_199 = tpu.memref_slice %arg7[%mul3A_182] : memref<10240xf32, #tpu.memory_space<vmem_shared>> -> memref<640xf32, #tpu.memory_space<vmem_shared>>
      tpu.wait_dma2 semaphore(%run_scoped3A : memref<!tpu.dma_semaphore, #tpu.memory_space<semaphore_mem>>) src(%arg6 : memref<640xf32, #tpu.memory_space<vmem>>) dst(%dma_wait3A_199 : memref<640xf32, #tpu.memory_space<vmem_shared>>)
      tpu.yield
    }) : () -> ()
    "tpu.region"() ({
      %run_scoped3A = tpu.sem_alloc : memref<!tpu.dma_semaphore, #tpu.memory_space<semaphore_mem>>
      %dma_start3A = arith.constant 0 : i32
      %dma_start3A_198 = arith.constant 0 : i32
      %dma_start3A_199 = tpu.memref_slice %arg2[%arg1, %dma_start3A, %dma_start3A_198] : memref<16x125x80xi32, #tpu.memory_space<hbm>> -> memref<1x125x80xi32, #tpu.memory_space<hbm>>
      %dma_start3A_200 = tpu.memref_squeeze %dma_start3A_199 : memref<1x125x80xi32, #tpu.memory_space<hbm>> -> memref<125x80xi32, #tpu.memory_space<hbm>>
      %dma_start3A_201 = arith.constant 0 : i32
      %dma_start3A_202 = arith.constant 0 : i32
      %dma_start3A_203 = tpu.memref_slice %arg2[%arg1, %dma_start3A_201, %dma_start3A_202] : memref<16x125x80xi32, #tpu.memory_space<hbm>> -> memref<1x125x80xi32, #tpu.memory_space<hbm>>
      %dma_start3A_204 = tpu.memref_squeeze %dma_start3A_203 : memref<1x125x80xi32, #tpu.memory_space<hbm>> -> memref<125x80xi32, #tpu.memory_space<hbm>>
      tpu.enqueue_dma source(%dma_start3A_204 : memref<125x80xi32, #tpu.memory_space<hbm>>) target(%arg4 : memref<125x80xi32, #tpu.memory_space<vmem>>) target_semaphore(%run_scoped3A : memref<!tpu.dma_semaphore, #tpu.memory_space<semaphore_mem>>)
      %dma_wait3A = arith.constant 0 : i32
      %dma_wait3A_205 = arith.constant 0 : i32
      %dma_wait3A_206 = tpu.memref_slice %arg2[%arg1, %dma_wait3A, %dma_wait3A_205] : memref<16x125x80xi32, #tpu.memory_space<hbm>> -> memref<1x125x80xi32, #tpu.memory_space<hbm>>
      %dma_wait3A_207 = tpu.memref_squeeze %dma_wait3A_206 : memref<1x125x80xi32, #tpu.memory_space<hbm>> -> memref<125x80xi32, #tpu.memory_space<hbm>>
      %dma_wait3A_208 = arith.constant 0 : i32
      %dma_wait3A_209 = arith.constant 0 : i32
      %dma_wait3A_210 = tpu.memref_slice %arg2[%arg1, %dma_wait3A_208, %dma_wait3A_209] : memref<16x125x80xi32, #tpu.memory_space<hbm>> -> memref<1x125x80xi32, #tpu.memory_space<hbm>>
      %dma_wait3A_211 = tpu.memref_squeeze %dma_wait3A_210 : memref<1x125x80xi32, #tpu.memory_space<hbm>> -> memref<125x80xi32, #tpu.memory_space<hbm>>
      tpu.wait_dma2 semaphore(%run_scoped3A : memref<!tpu.dma_semaphore, #tpu.memory_space<semaphore_mem>>) src(%dma_wait3A_211 : memref<125x80xi32, #tpu.memory_space<hbm>>) dst(%arg4 : memref<125x80xi32, #tpu.memory_space<vmem>>)
      tpu.yield
    }) : () -> ()
    %barrier3A = arith.constant 0 : index
    tpu.barrier barrier_id(%barrier3A)
    %sub3A = arith.constant 63 : i32
    %sub3A_183 = arith.subi %sub3A, %arg0 : i32
    %while3A = arith.constant 0 : i32
    %while3A_184 = arith.constant 0 : i32
    %while3A_185 = arith.subi %sub3A_183, %while3A_184 : i32
    %while3A_186 = arith.addi %while3A_184, %while3A_185 : i32
    %while3A_187 = arith.constant 1 : i32
    %while3A_188 = arith.divsi %while3A_185, %while3A_187 : i32
    %while3A_189 = arith.muli %while3A_188, %while3A_187 : i32
    %while3A_190 = arith.addi %while3A_184, %while3A_189 : i32
    %while3A_191 = arith.constant 1 : i32
    scf.for %while3A_198 = %while3A_184 to %while3A_190 step %while3A_191  : i32 {
      %mul3A_199 = arith.constant 2 : i32
      %mul3A_200 = arith.muli %while3A_198, %mul3A_199 : i32
      %add3A = arith.addi %mul3A_200, %arg0 : i32
      "tpu.region"() ({
        %run_scoped3A = tpu.sem_alloc : memref<!tpu.dma_semaphore, #tpu.memory_space<semaphore_mem>>
        %dma_start3A = arith.constant 0 : i32
        %dma_start3A_201 = tpu.memref_slice %arg4[%add3A, %dma_start3A] : memref<125x80xi32, #tpu.memory_space<vmem>> -> memref<1x80xi32, #tpu.memory_space<vmem>>
        %dma_start3A_202 = tpu.memref_squeeze %dma_start3A_201 : memref<1x80xi32, #tpu.memory_space<vmem>> -> memref<80xi32, #tpu.memory_space<vmem>>
        %dma_start3A_203 = arith.constant 0 : i32
        %dma_start3A_204 = tpu.memref_slice %arg7[%dma_start3A_203] : memref<10240xf32, #tpu.memory_space<vmem_shared>> -> memref<10240xf32, #tpu.memory_space<vmem_shared>>
        tpu.enqueue_indirect_dma source(%arg5 : memref<80xf32, #tpu.memory_space<vmem>>) target(%dma_start3A_204 : memref<10240xf32, #tpu.memory_space<vmem_shared>>) offsets(%dma_start3A_202 : memref<80xi32, #tpu.memory_space<vmem>>) semaphore(%run_scoped3A : memref<!tpu.dma_semaphore, #tpu.memory_space<semaphore_mem>>) {add = true}
        %dma_wait3A = arith.constant 0 : i32
        %dma_wait3A_205 = tpu.memref_slice %arg4[%add3A, %dma_wait3A] : memref<125x80xi32, #tpu.memory_space<vmem>> -> memref<1x80xi32, #tpu.memory_space<vmem>>
        %dma_wait3A_206 = tpu.memref_squeeze %dma_wait3A_205 : memref<1x80xi32, #tpu.memory_space<vmem>> -> memref<80xi32, #tpu.memory_space<vmem>>
        %dma_wait3A_207 = arith.constant 0 : i32
        %dma_wait3A_208 = tpu.memref_slice %arg7[%dma_wait3A_207] : memref<10240xf32, #tpu.memory_space<vmem_shared>> -> memref<10240xf32, #tpu.memory_space<vmem_shared>>
        tpu.wait_indirect_dma semaphore(%run_scoped3A : memref<!tpu.dma_semaphore, #tpu.memory_space<semaphore_mem>>) src(%arg5 : memref<80xf32, #tpu.memory_space<vmem>>) dst(%dma_wait3A_208 : memref<10240xf32, #tpu.memory_space<vmem_shared>>)
        tpu.yield
      }) : () -> ()
    }
    %while3A_192 = arith.constant 1 : i32
    scf.for %while3A_198 = %while3A_190 to %while3A_186 step %while3A_192  : i32 {
      %mul3A_199 = arith.constant 2 : i32
      %mul3A_200 = arith.muli %while3A_198, %mul3A_199 : i32
      %add3A = arith.addi %mul3A_200, %arg0 : i32
      "tpu.region"() ({
        %run_scoped3A = tpu.sem_alloc : memref<!tpu.dma_semaphore, #tpu.memory_space<semaphore_mem>>
        %dma_start3A = arith.constant 0 : i32
        %dma_start3A_201 = tpu.memref_slice %arg4[%add3A, %dma_start3A] : memref<125x80xi32, #tpu.memory_space<vmem>> -> memref<1x80xi32, #tpu.memory_space<vmem>>
        %dma_start3A_202 = tpu.memref_squeeze %dma_start3A_201 : memref<1x80xi32, #tpu.memory_space<vmem>> -> memref<80xi32, #tpu.memory_space<vmem>>
        %dma_start3A_203 = arith.constant 0 : i32
        %dma_start3A_204 = tpu.memref_slice %arg7[%dma_start3A_203] : memref<10240xf32, #tpu.memory_space<vmem_shared>> -> memref<10240xf32, #tpu.memory_space<vmem_shared>>
        tpu.enqueue_indirect_dma source(%arg5 : memref<80xf32, #tpu.memory_space<vmem>>) target(%dma_start3A_204 : memref<10240xf32, #tpu.memory_space<vmem_shared>>) offsets(%dma_start3A_202 : memref<80xi32, #tpu.memory_space<vmem>>) semaphore(%run_scoped3A : memref<!tpu.dma_semaphore, #tpu.memory_space<semaphore_mem>>) {add = true}
        %dma_wait3A = arith.constant 0 : i32
        %dma_wait3A_205 = tpu.memref_slice %arg4[%add3A, %dma_wait3A] : memref<125x80xi32, #tpu.memory_space<vmem>> -> memref<1x80xi32, #tpu.memory_space<vmem>>
        %dma_wait3A_206 = tpu.memref_squeeze %dma_wait3A_205 : memref<1x80xi32, #tpu.memory_space<vmem>> -> memref<80xi32, #tpu.memory_space<vmem>>
        %dma_wait3A_207 = arith.constant 0 : i32
        %dma_wait3A_208 = tpu.memref_slice %arg7[%dma_wait3A_207] : memref<10240xf32, #tpu.memory_space<vmem_shared>> -> memref<10240xf32, #tpu.memory_space<vmem_shared>>
        tpu.wait_indirect_dma semaphore(%run_scoped3A : memref<!tpu.dma_semaphore, #tpu.memory_space<semaphore_mem>>) src(%arg5 : memref<80xf32, #tpu.memory_space<vmem>>) dst(%dma_wait3A_208 : memref<10240xf32, #tpu.memory_space<vmem_shared>>)
        tpu.yield
      }) : () -> ()
    }
    %barrier3A_193 = arith.constant 0 : index
    tpu.barrier barrier_id(%barrier3A_193)
    %mul3A_194 = arith.constant 640 : i32
    %mul3A_195 = arith.muli %arg1, %mul3A_194 : i32
    %mul3A_196 = arith.constant 640 : i32
    %mul3A_197 = arith.muli %arg1, %mul3A_196 : i32
    "tpu.region"() ({
      %run_scoped3A = tpu.sem_alloc : memref<!tpu.dma_semaphore, #tpu.memory_space<semaphore_mem>>
      %dma_start3A = tpu.memref_slice %arg3[%arg0, %mul3A_197] : memref<2x10240xf32, #tpu.memory_space<hbm>> -> memref<1x640xf32, #tpu.memory_space<hbm>>
      %dma_start3A_198 = tpu.memref_squeeze %dma_start3A : memref<1x640xf32, #tpu.memory_space<hbm>> -> memref<640xf32, #tpu.memory_space<hbm>>
      %dma_start3A_199 = tpu.memref_slice %arg7[%mul3A_195] : memref<10240xf32, #tpu.memory_space<vmem_shared>> -> memref<640xf32, #tpu.memory_space<vmem_shared>>
      tpu.enqueue_dma source(%dma_start3A_199 : memref<640xf32, #tpu.memory_space<vmem_shared>>) target(%dma_start3A_198 : memref<640xf32, #tpu.memory_space<hbm>>) target_semaphore(%run_scoped3A : memref<!tpu.dma_semaphore, #tpu.memory_space<semaphore_mem>>)
      %dma_wait3A = tpu.memref_slice %arg3[%arg0, %mul3A_197] : memref<2x10240xf32, #tpu.memory_space<hbm>> -> memref<1x640xf32, #tpu.memory_space<hbm>>
      %dma_wait3A_200 = tpu.memref_squeeze %dma_wait3A : memref<1x640xf32, #tpu.memory_space<hbm>> -> memref<640xf32, #tpu.memory_space<hbm>>
      %dma_wait3A_201 = tpu.memref_slice %arg7[%mul3A_195] : memref<10240xf32, #tpu.memory_space<vmem_shared>> -> memref<640xf32, #tpu.memory_space<vmem_shared>>
      tpu.wait_dma2 semaphore(%run_scoped3A : memref<!tpu.dma_semaphore, #tpu.memory_space<semaphore_mem>>) src(%dma_wait3A_201 : memref<640xf32, #tpu.memory_space<vmem_shared>>) dst(%dma_wait3A_200 : memref<640xf32, #tpu.memory_space<hbm>>)
      tpu.yield
    }) : () -> ()
    return
  }
}

#map = affine_map<(d0, d1) -> (0, 0)>
#map1 = affine_map<(d0, d1) -> (0, 0, 0, 0)>
#map2 = affine_map<(d0, d1) -> (0, 0, 0)>
module attributes {stable_mosaic.version = 14 : i64} {
  func.func @_prop_body(%arg0: i32, %arg1: i32, %arg2: memref<10240x128xf32, #tpu.memory_space<hbm>>, %arg3: memref<10240x128xf32, #tpu.memory_space<hbm>>, %arg4: memref<16x5x25x80xi32, #tpu.memory_space<hbm>>, %arg5: memref<16x5x25x80xi32, #tpu.memory_space<hbm>>, %arg6: memref<2x10240x128xf32, #tpu.memory_space<hbm>>, %arg7: memref<25x80xi32, #tpu.memory_space<vmem>>, %arg8: memref<25x80xi32, #tpu.memory_space<vmem>>, %arg9: memref<80x128xf32, #tpu.memory_space<vmem>>, %arg10: memref<80x128xf32, #tpu.memory_space<vmem>>, %arg11: memref<!tpu.dma_semaphore, #tpu.memory_space<semaphore_mem>>, %arg12: memref<!tpu.dma_semaphore, #tpu.memory_space<semaphore_mem>>, %arg13: memref<10240x128xf32, #tpu.memory_space<vmem_shared>>) attributes {dimension_semantics = [#tpu.dimension_semantics<core_parallel>, #tpu.dimension_semantics<subcore_parallel>], iteration_bounds = array<i64: 2, 16>, scalar_prefetch = 0 : i64, scratch_operands = 7 : i64, tpu.core_type = #tpu.core_type<sc_vector_subcore>, window_params = [{transform_indices = #map}, {transform_indices = #map}, {transform_indices = #map1}, {transform_indices = #map1}, {transform_indices = #map2}]} {
    %eq3A = arith.constant 0 : i32
    %eq3A_0 = arith.cmpi eq, %arg0, %eq3A : i32
    %convert_element_type3A = arith.extui %eq3A_0 : i1 to i32
    %cond3A = arith.constant 0 : i32
    %cond3A_1 = arith.cmpi ne, %convert_element_type3A, %cond3A : i32
    scf.if %cond3A_1 {
      %mul3A = arith.constant 640 : i32
      %mul3A_7 = arith.muli %arg1, %mul3A : i32
      %mul3A_8 = arith.constant 640 : i32
      %mul3A_9 = arith.muli %arg1, %mul3A_8 : i32
      "tpu.region"() ({
        %run_scoped3A_20 = tpu.sem_alloc : memref<!tpu.dma_semaphore, #tpu.memory_space<semaphore_mem>>
        %dma_start3A = arith.constant 0 : i32
        %dma_start3A_21 = tpu.memref_slice %arg13[%mul3A_9, %dma_start3A] : memref<10240x128xf32, #tpu.memory_space<vmem_shared>> -> memref<640x128xf32, #tpu.memory_space<vmem_shared>>
        %dma_start3A_22 = arith.constant 0 : i32
        %dma_start3A_23 = tpu.memref_slice %arg2[%mul3A_7, %dma_start3A_22] : memref<10240x128xf32, #tpu.memory_space<hbm>> -> memref<640x128xf32, #tpu.memory_space<hbm>>
        tpu.enqueue_dma source(%dma_start3A_23 : memref<640x128xf32, #tpu.memory_space<hbm>>) target(%dma_start3A_21 : memref<640x128xf32, #tpu.memory_space<vmem_shared>>) target_semaphore(%run_scoped3A_20 : memref<!tpu.dma_semaphore, #tpu.memory_space<semaphore_mem>>)
        %dma_wait3A = arith.constant 0 : i32
        %dma_wait3A_24 = tpu.memref_slice %arg13[%mul3A_9, %dma_wait3A] : memref<10240x128xf32, #tpu.memory_space<vmem_shared>> -> memref<640x128xf32, #tpu.memory_space<vmem_shared>>
        %dma_wait3A_25 = arith.constant 0 : i32
        %dma_wait3A_26 = tpu.memref_slice %arg2[%mul3A_7, %dma_wait3A_25] : memref<10240x128xf32, #tpu.memory_space<hbm>> -> memref<640x128xf32, #tpu.memory_space<hbm>>
        tpu.wait_dma2 semaphore(%run_scoped3A_20 : memref<!tpu.dma_semaphore, #tpu.memory_space<semaphore_mem>>) src(%dma_wait3A_26 : memref<640x128xf32, #tpu.memory_space<hbm>>) dst(%dma_wait3A_24 : memref<640x128xf32, #tpu.memory_space<vmem_shared>>)
        tpu.yield
      }) : () -> ()
      %barrier3A = arith.constant 0 : index
      tpu.barrier barrier_id(%barrier3A)
      %scan3A = arith.constant 0 : i32
      %scan3A_10 = arith.constant 0 : i32
      %scan3A_11 = arith.constant 5 : i32
      %scan3A_12 = arith.addi %scan3A_10, %scan3A_11 : i32
      %scan3A_13 = arith.constant 1 : i32
      scf.for %scan3A_20 = %scan3A_10 to %scan3A_12 step %scan3A_13  : i32 {
        "tpu.region"() ({
          %run_scoped3A_46 = tpu.sem_alloc : memref<!tpu.dma_semaphore, #tpu.memory_space<semaphore_mem>>
          %dma_start3A_47 = arith.constant 0 : i32
          %dma_start3A_48 = arith.constant 0 : i32
          %dma_start3A_49 = tpu.memref_slice %arg4[%arg1, %scan3A_20, %dma_start3A_47, %dma_start3A_48] : memref<16x5x25x80xi32, #tpu.memory_space<hbm>> -> memref<1x1x25x80xi32, #tpu.memory_space<hbm>>
          %dma_start3A_50 = tpu.memref_squeeze %dma_start3A_49 : memref<1x1x25x80xi32, #tpu.memory_space<hbm>> -> memref<25x80xi32, #tpu.memory_space<hbm>>
          %dma_start3A_51 = arith.constant 0 : i32
          %dma_start3A_52 = arith.constant 0 : i32
          %dma_start3A_53 = tpu.memref_slice %arg4[%arg1, %scan3A_20, %dma_start3A_51, %dma_start3A_52] : memref<16x5x25x80xi32, #tpu.memory_space<hbm>> -> memref<1x1x25x80xi32, #tpu.memory_space<hbm>>
          %dma_start3A_54 = tpu.memref_squeeze %dma_start3A_53 : memref<1x1x25x80xi32, #tpu.memory_space<hbm>> -> memref<25x80xi32, #tpu.memory_space<hbm>>
          tpu.enqueue_dma source(%dma_start3A_54 : memref<25x80xi32, #tpu.memory_space<hbm>>) target(%arg7 : memref<25x80xi32, #tpu.memory_space<vmem>>) target_semaphore(%run_scoped3A_46 : memref<!tpu.dma_semaphore, #tpu.memory_space<semaphore_mem>>)
          %dma_wait3A_55 = arith.constant 0 : i32
          %dma_wait3A_56 = arith.constant 0 : i32
          %dma_wait3A_57 = tpu.memref_slice %arg4[%arg1, %scan3A_20, %dma_wait3A_55, %dma_wait3A_56] : memref<16x5x25x80xi32, #tpu.memory_space<hbm>> -> memref<1x1x25x80xi32, #tpu.memory_space<hbm>>
          %dma_wait3A_58 = tpu.memref_squeeze %dma_wait3A_57 : memref<1x1x25x80xi32, #tpu.memory_space<hbm>> -> memref<25x80xi32, #tpu.memory_space<hbm>>
          %dma_wait3A_59 = arith.constant 0 : i32
          %dma_wait3A_60 = arith.constant 0 : i32
          %dma_wait3A_61 = tpu.memref_slice %arg4[%arg1, %scan3A_20, %dma_wait3A_59, %dma_wait3A_60] : memref<16x5x25x80xi32, #tpu.memory_space<hbm>> -> memref<1x1x25x80xi32, #tpu.memory_space<hbm>>
          %dma_wait3A_62 = tpu.memref_squeeze %dma_wait3A_61 : memref<1x1x25x80xi32, #tpu.memory_space<hbm>> -> memref<25x80xi32, #tpu.memory_space<hbm>>
          tpu.wait_dma2 semaphore(%run_scoped3A_46 : memref<!tpu.dma_semaphore, #tpu.memory_space<semaphore_mem>>) src(%dma_wait3A_62 : memref<25x80xi32, #tpu.memory_space<hbm>>) dst(%arg7 : memref<25x80xi32, #tpu.memory_space<vmem>>)
          tpu.yield
        }) : () -> ()
        "tpu.region"() ({
          %run_scoped3A_46 = tpu.sem_alloc : memref<!tpu.dma_semaphore, #tpu.memory_space<semaphore_mem>>
          %dma_start3A_47 = arith.constant 0 : i32
          %dma_start3A_48 = arith.constant 0 : i32
          %dma_start3A_49 = tpu.memref_slice %arg5[%arg1, %scan3A_20, %dma_start3A_47, %dma_start3A_48] : memref<16x5x25x80xi32, #tpu.memory_space<hbm>> -> memref<1x1x25x80xi32, #tpu.memory_space<hbm>>
          %dma_start3A_50 = tpu.memref_squeeze %dma_start3A_49 : memref<1x1x25x80xi32, #tpu.memory_space<hbm>> -> memref<25x80xi32, #tpu.memory_space<hbm>>
          %dma_start3A_51 = arith.constant 0 : i32
          %dma_start3A_52 = arith.constant 0 : i32
          %dma_start3A_53 = tpu.memref_slice %arg5[%arg1, %scan3A_20, %dma_start3A_51, %dma_start3A_52] : memref<16x5x25x80xi32, #tpu.memory_space<hbm>> -> memref<1x1x25x80xi32, #tpu.memory_space<hbm>>
          %dma_start3A_54 = tpu.memref_squeeze %dma_start3A_53 : memref<1x1x25x80xi32, #tpu.memory_space<hbm>> -> memref<25x80xi32, #tpu.memory_space<hbm>>
          tpu.enqueue_dma source(%dma_start3A_54 : memref<25x80xi32, #tpu.memory_space<hbm>>) target(%arg8 : memref<25x80xi32, #tpu.memory_space<vmem>>) target_semaphore(%run_scoped3A_46 : memref<!tpu.dma_semaphore, #tpu.memory_space<semaphore_mem>>)
          %dma_wait3A_55 = arith.constant 0 : i32
          %dma_wait3A_56 = arith.constant 0 : i32
          %dma_wait3A_57 = tpu.memref_slice %arg5[%arg1, %scan3A_20, %dma_wait3A_55, %dma_wait3A_56] : memref<16x5x25x80xi32, #tpu.memory_space<hbm>> -> memref<1x1x25x80xi32, #tpu.memory_space<hbm>>
          %dma_wait3A_58 = tpu.memref_squeeze %dma_wait3A_57 : memref<1x1x25x80xi32, #tpu.memory_space<hbm>> -> memref<25x80xi32, #tpu.memory_space<hbm>>
          %dma_wait3A_59 = arith.constant 0 : i32
          %dma_wait3A_60 = arith.constant 0 : i32
          %dma_wait3A_61 = tpu.memref_slice %arg5[%arg1, %scan3A_20, %dma_wait3A_59, %dma_wait3A_60] : memref<16x5x25x80xi32, #tpu.memory_space<hbm>> -> memref<1x1x25x80xi32, #tpu.memory_space<hbm>>
          %dma_wait3A_62 = tpu.memref_squeeze %dma_wait3A_61 : memref<1x1x25x80xi32, #tpu.memory_space<hbm>> -> memref<25x80xi32, #tpu.memory_space<hbm>>
          tpu.wait_dma2 semaphore(%run_scoped3A_46 : memref<!tpu.dma_semaphore, #tpu.memory_space<semaphore_mem>>) src(%dma_wait3A_62 : memref<25x80xi32, #tpu.memory_space<hbm>>) dst(%arg8 : memref<25x80xi32, #tpu.memory_space<vmem>>)
          tpu.yield
        }) : () -> ()
        %dma_start3A = arith.constant 0 : i32
        %dma_start3A_21 = arith.constant 0 : i32
        %dma_start3A_22 = tpu.memref_slice %arg7[%dma_start3A, %dma_start3A_21] : memref<25x80xi32, #tpu.memory_space<vmem>> -> memref<1x80xi32, #tpu.memory_space<vmem>>
        %dma_start3A_23 = tpu.memref_squeeze %dma_start3A_22 : memref<1x80xi32, #tpu.memory_space<vmem>> -> memref<80xi32, #tpu.memory_space<vmem>>
        %dma_start3A_24 = arith.constant 0 : i32
        %dma_start3A_25 = arith.constant 0 : i32
        %dma_start3A_26 = tpu.memref_slice %arg2[%dma_start3A_24, %dma_start3A_25] : memref<10240x128xf32, #tpu.memory_space<hbm>> -> memref<10240x128xf32, #tpu.memory_space<hbm>>
        tpu.enqueue_indirect_dma source(%dma_start3A_26 : memref<10240x128xf32, #tpu.memory_space<hbm>>) target(%arg9 : memref<80x128xf32, #tpu.memory_space<vmem>>) offsets(%dma_start3A_23 : memref<80xi32, #tpu.memory_space<vmem>>) semaphore(%arg11 : memref<!tpu.dma_semaphore, #tpu.memory_space<semaphore_mem>>)
        %scan3A_27 = arith.constant 0 : i32
        %scan3A_28 = arith.constant 0 : i32
        %scan3A_29 = arith.constant 13 : i32
        %scan3A_30 = arith.addi %scan3A_28, %scan3A_29 : i32
        %scan3A_31 = arith.constant 1 : i32
        scf.for %scan3A_46 = %scan3A_28 to %scan3A_30 step %scan3A_31  : i32 {
          %mul3A_47 = arith.constant 2 : i32
          %mul3A_48 = arith.muli %scan3A_46, %mul3A_47 : i32
          %dma_wait3A_49 = arith.constant 0 : i32
          %dma_wait3A_50 = arith.constant 0 : i32
          %dma_wait3A_51 = tpu.memref_slice %arg7[%dma_wait3A_49, %dma_wait3A_50] : memref<25x80xi32, #tpu.memory_space<vmem>> -> memref<1x80xi32, #tpu.memory_space<vmem>>
          %dma_wait3A_52 = tpu.memref_squeeze %dma_wait3A_51 : memref<1x80xi32, #tpu.memory_space<vmem>> -> memref<80xi32, #tpu.memory_space<vmem>>
          %dma_wait3A_53 = arith.constant 0 : i32
          %dma_wait3A_54 = arith.constant 0 : i32
          %dma_wait3A_55 = tpu.memref_slice %arg2[%dma_wait3A_53, %dma_wait3A_54] : memref<10240x128xf32, #tpu.memory_space<hbm>> -> memref<10240x128xf32, #tpu.memory_space<hbm>>
          tpu.wait_indirect_dma semaphore(%arg11 : memref<!tpu.dma_semaphore, #tpu.memory_space<semaphore_mem>>) src(%dma_wait3A_55 : memref<10240x128xf32, #tpu.memory_space<hbm>>) dst(%arg9 : memref<80x128xf32, #tpu.memory_space<vmem>>)
          %add3A = arith.constant 1 : i32
          %add3A_56 = arith.addi %mul3A_48, %add3A : i32
          %lt3A = arith.constant 25 : i32
          %lt3A_57 = arith.cmpi slt, %add3A_56, %lt3A : i32
          %convert_element_type3A_58 = arith.extui %lt3A_57 : i1 to i32
          %cond3A_59 = arith.constant 0 : i32
          %cond3A_60 = arith.cmpi ne, %convert_element_type3A_58, %cond3A_59 : i32
          scf.if %cond3A_60 {
            %gt3A = arith.constant 0 : i32
            %gt3A_74 = arith.cmpi sgt, %mul3A_48, %gt3A : i32
            %convert_element_type3A_75 = arith.extui %gt3A_74 : i1 to i32
            %cond3A_76 = arith.constant 0 : i32
            %cond3A_77 = arith.cmpi ne, %convert_element_type3A_75, %cond3A_76 : i32
            scf.if %cond3A_77 {
              %dma_wait3A_86 = arith.constant 0 : i32
              %dma_wait3A_87 = arith.constant 0 : i32
              %dma_wait3A_88 = tpu.memref_slice %arg8[%dma_wait3A_86, %dma_wait3A_87] : memref<25x80xi32, #tpu.memory_space<vmem>> -> memref<1x80xi32, #tpu.memory_space<vmem>>
              %dma_wait3A_89 = tpu.memref_squeeze %dma_wait3A_88 : memref<1x80xi32, #tpu.memory_space<vmem>> -> memref<80xi32, #tpu.memory_space<vmem>>
              %dma_wait3A_90 = arith.constant 0 : i32
              %dma_wait3A_91 = arith.constant 0 : i32
              %dma_wait3A_92 = tpu.memref_slice %arg13[%dma_wait3A_90, %dma_wait3A_91] : memref<10240x128xf32, #tpu.memory_space<vmem_shared>> -> memref<10240x128xf32, #tpu.memory_space<vmem_shared>>
              tpu.wait_indirect_dma semaphore(%arg12 : memref<!tpu.dma_semaphore, #tpu.memory_space<semaphore_mem>>) src(%arg10 : memref<80x128xf32, #tpu.memory_space<vmem>>) dst(%dma_wait3A_92 : memref<10240x128xf32, #tpu.memory_space<vmem_shared>>)
            } else {
            }
            %add3A_78 = arith.constant 1 : i32
            %add3A_79 = arith.addi %mul3A_48, %add3A_78 : i32
            %dma_start3A_80 = arith.constant 0 : i32
            %dma_start3A_81 = tpu.memref_slice %arg7[%add3A_79, %dma_start3A_80] : memref<25x80xi32, #tpu.memory_space<vmem>> -> memref<1x80xi32, #tpu.memory_space<vmem>>
            %dma_start3A_82 = tpu.memref_squeeze %dma_start3A_81 : memref<1x80xi32, #tpu.memory_space<vmem>> -> memref<80xi32, #tpu.memory_space<vmem>>
            %dma_start3A_83 = arith.constant 0 : i32
            %dma_start3A_84 = arith.constant 0 : i32
            %dma_start3A_85 = tpu.memref_slice %arg2[%dma_start3A_83, %dma_start3A_84] : memref<10240x128xf32, #tpu.memory_space<hbm>> -> memref<10240x128xf32, #tpu.memory_space<hbm>>
            tpu.enqueue_indirect_dma source(%dma_start3A_85 : memref<10240x128xf32, #tpu.memory_space<hbm>>) target(%arg10 : memref<80x128xf32, #tpu.memory_space<vmem>>) offsets(%dma_start3A_82 : memref<80xi32, #tpu.memory_space<vmem>>) semaphore(%arg11 : memref<!tpu.dma_semaphore, #tpu.memory_space<semaphore_mem>>)
          } else {
          }
          %dma_start3A_61 = arith.constant 0 : i32
          %dma_start3A_62 = tpu.memref_slice %arg8[%mul3A_48, %dma_start3A_61] : memref<25x80xi32, #tpu.memory_space<vmem>> -> memref<1x80xi32, #tpu.memory_space<vmem>>
          %dma_start3A_63 = tpu.memref_squeeze %dma_start3A_62 : memref<1x80xi32, #tpu.memory_space<vmem>> -> memref<80xi32, #tpu.memory_space<vmem>>
          %dma_start3A_64 = arith.constant 0 : i32
          %dma_start3A_65 = arith.constant 0 : i32
          %dma_start3A_66 = tpu.memref_slice %arg13[%dma_start3A_64, %dma_start3A_65] : memref<10240x128xf32, #tpu.memory_space<vmem_shared>> -> memref<10240x128xf32, #tpu.memory_space<vmem_shared>>
          tpu.enqueue_indirect_dma source(%arg9 : memref<80x128xf32, #tpu.memory_space<vmem>>) target(%dma_start3A_66 : memref<10240x128xf32, #tpu.memory_space<vmem_shared>>) offsets(%dma_start3A_63 : memref<80xi32, #tpu.memory_space<vmem>>) semaphore(%arg12 : memref<!tpu.dma_semaphore, #tpu.memory_space<semaphore_mem>>) {add = true}
          %add3A_67 = arith.constant 1 : i32
          %add3A_68 = arith.addi %mul3A_48, %add3A_67 : i32
          %lt3A_69 = arith.constant 25 : i32
          %lt3A_70 = arith.cmpi slt, %add3A_68, %lt3A_69 : i32
          %convert_element_type3A_71 = arith.extui %lt3A_70 : i1 to i32
          %cond3A_72 = arith.constant 0 : i32
          %cond3A_73 = arith.cmpi ne, %convert_element_type3A_71, %cond3A_72 : i32
          scf.if %cond3A_73 {
            %dma_wait3A_74 = arith.constant 0 : i32
            %dma_wait3A_75 = arith.constant 0 : i32
            %dma_wait3A_76 = tpu.memref_slice %arg7[%dma_wait3A_74, %dma_wait3A_75] : memref<25x80xi32, #tpu.memory_space<vmem>> -> memref<1x80xi32, #tpu.memory_space<vmem>>
            %dma_wait3A_77 = tpu.memref_squeeze %dma_wait3A_76 : memref<1x80xi32, #tpu.memory_space<vmem>> -> memref<80xi32, #tpu.memory_space<vmem>>
            %dma_wait3A_78 = arith.constant 0 : i32
            %dma_wait3A_79 = arith.constant 0 : i32
            %dma_wait3A_80 = tpu.memref_slice %arg2[%dma_wait3A_78, %dma_wait3A_79] : memref<10240x128xf32, #tpu.memory_space<hbm>> -> memref<10240x128xf32, #tpu.memory_space<hbm>>
            tpu.wait_indirect_dma semaphore(%arg11 : memref<!tpu.dma_semaphore, #tpu.memory_space<semaphore_mem>>) src(%dma_wait3A_80 : memref<10240x128xf32, #tpu.memory_space<hbm>>) dst(%arg10 : memref<80x128xf32, #tpu.memory_space<vmem>>)
            %dma_wait3A_81 = arith.constant 0 : i32
            %dma_wait3A_82 = arith.constant 0 : i32
            %dma_wait3A_83 = tpu.memref_slice %arg8[%dma_wait3A_81, %dma_wait3A_82] : memref<25x80xi32, #tpu.memory_space<vmem>> -> memref<1x80xi32, #tpu.memory_space<vmem>>
            %dma_wait3A_84 = tpu.memref_squeeze %dma_wait3A_83 : memref<1x80xi32, #tpu.memory_space<vmem>> -> memref<80xi32, #tpu.memory_space<vmem>>
            %dma_wait3A_85 = arith.constant 0 : i32
            %dma_wait3A_86 = arith.constant 0 : i32
            %dma_wait3A_87 = tpu.memref_slice %arg13[%dma_wait3A_85, %dma_wait3A_86] : memref<10240x128xf32, #tpu.memory_space<vmem_shared>> -> memref<10240x128xf32, #tpu.memory_space<vmem_shared>>
            tpu.wait_indirect_dma semaphore(%arg12 : memref<!tpu.dma_semaphore, #tpu.memory_space<semaphore_mem>>) src(%arg9 : memref<80x128xf32, #tpu.memory_space<vmem>>) dst(%dma_wait3A_87 : memref<10240x128xf32, #tpu.memory_space<vmem_shared>>)
            %add3A_88 = arith.constant 2 : i32
            %add3A_89 = arith.addi %mul3A_48, %add3A_88 : i32
            %lt3A_90 = arith.constant 25 : i32
            %lt3A_91 = arith.cmpi slt, %add3A_89, %lt3A_90 : i32
            %convert_element_type3A_92 = arith.extui %lt3A_91 : i1 to i32
            %cond3A_93 = arith.constant 0 : i32
            %cond3A_94 = arith.cmpi ne, %convert_element_type3A_92, %cond3A_93 : i32
            scf.if %cond3A_94 {
              %add3A_103 = arith.constant 2 : i32
              %add3A_104 = arith.addi %mul3A_48, %add3A_103 : i32
              %dma_start3A_105 = arith.constant 0 : i32
              %dma_start3A_106 = tpu.memref_slice %arg7[%add3A_104, %dma_start3A_105] : memref<25x80xi32, #tpu.memory_space<vmem>> -> memref<1x80xi32, #tpu.memory_space<vmem>>
              %dma_start3A_107 = tpu.memref_squeeze %dma_start3A_106 : memref<1x80xi32, #tpu.memory_space<vmem>> -> memref<80xi32, #tpu.memory_space<vmem>>
              %dma_start3A_108 = arith.constant 0 : i32
              %dma_start3A_109 = arith.constant 0 : i32
              %dma_start3A_110 = tpu.memref_slice %arg2[%dma_start3A_108, %dma_start3A_109] : memref<10240x128xf32, #tpu.memory_space<hbm>> -> memref<10240x128xf32, #tpu.memory_space<hbm>>
              tpu.enqueue_indirect_dma source(%dma_start3A_110 : memref<10240x128xf32, #tpu.memory_space<hbm>>) target(%arg9 : memref<80x128xf32, #tpu.memory_space<vmem>>) offsets(%dma_start3A_107 : memref<80xi32, #tpu.memory_space<vmem>>) semaphore(%arg11 : memref<!tpu.dma_semaphore, #tpu.memory_space<semaphore_mem>>)
            } else {
            }
            %add3A_95 = arith.constant 1 : i32
            %add3A_96 = arith.addi %mul3A_48, %add3A_95 : i32
            %dma_start3A_97 = arith.constant 0 : i32
            %dma_start3A_98 = tpu.memref_slice %arg8[%add3A_96, %dma_start3A_97] : memref<25x80xi32, #tpu.memory_space<vmem>> -> memref<1x80xi32, #tpu.memory_space<vmem>>
            %dma_start3A_99 = tpu.memref_squeeze %dma_start3A_98 : memref<1x80xi32, #tpu.memory_space<vmem>> -> memref<80xi32, #tpu.memory_space<vmem>>
            %dma_start3A_100 = arith.constant 0 : i32
            %dma_start3A_101 = arith.constant 0 : i32
            %dma_start3A_102 = tpu.memref_slice %arg13[%dma_start3A_100, %dma_start3A_101] : memref<10240x128xf32, #tpu.memory_space<vmem_shared>> -> memref<10240x128xf32, #tpu.memory_space<vmem_shared>>
            tpu.enqueue_indirect_dma source(%arg10 : memref<80x128xf32, #tpu.memory_space<vmem>>) target(%dma_start3A_102 : memref<10240x128xf32, #tpu.memory_space<vmem_shared>>) offsets(%dma_start3A_99 : memref<80xi32, #tpu.memory_space<vmem>>) semaphore(%arg12 : memref<!tpu.dma_semaphore, #tpu.memory_space<semaphore_mem>>) {add = true}
          } else {
          }
        }
        %scan3A_32 = arith.constant 13 : i32
        %dma_wait3A = arith.constant 0 : i32
        %dma_wait3A_33 = arith.constant 0 : i32
        %dma_wait3A_34 = tpu.memref_slice %arg8[%dma_wait3A, %dma_wait3A_33] : memref<25x80xi32, #tpu.memory_space<vmem>> -> memref<1x80xi32, #tpu.memory_space<vmem>>
        %dma_wait3A_35 = tpu.memref_squeeze %dma_wait3A_34 : memref<1x80xi32, #tpu.memory_space<vmem>> -> memref<80xi32, #tpu.memory_space<vmem>>
        %dma_wait3A_36 = arith.constant 0 : i32
        %dma_wait3A_37 = arith.constant 0 : i32
        %dma_wait3A_38 = tpu.memref_slice %arg13[%dma_wait3A_36, %dma_wait3A_37] : memref<10240x128xf32, #tpu.memory_space<vmem_shared>> -> memref<10240x128xf32, #tpu.memory_space<vmem_shared>>
        tpu.wait_indirect_dma semaphore(%arg12 : memref<!tpu.dma_semaphore, #tpu.memory_space<semaphore_mem>>) src(%arg10 : memref<80x128xf32, #tpu.memory_space<vmem>>) dst(%dma_wait3A_38 : memref<10240x128xf32, #tpu.memory_space<vmem_shared>>)
        %dma_wait3A_39 = arith.constant 0 : i32
        %dma_wait3A_40 = arith.constant 0 : i32
        %dma_wait3A_41 = tpu.memref_slice %arg8[%dma_wait3A_39, %dma_wait3A_40] : memref<25x80xi32, #tpu.memory_space<vmem>> -> memref<1x80xi32, #tpu.memory_space<vmem>>
        %dma_wait3A_42 = tpu.memref_squeeze %dma_wait3A_41 : memref<1x80xi32, #tpu.memory_space<vmem>> -> memref<80xi32, #tpu.memory_space<vmem>>
        %dma_wait3A_43 = arith.constant 0 : i32
        %dma_wait3A_44 = arith.constant 0 : i32
        %dma_wait3A_45 = tpu.memref_slice %arg13[%dma_wait3A_43, %dma_wait3A_44] : memref<10240x128xf32, #tpu.memory_space<vmem_shared>> -> memref<10240x128xf32, #tpu.memory_space<vmem_shared>>
        tpu.wait_indirect_dma semaphore(%arg12 : memref<!tpu.dma_semaphore, #tpu.memory_space<semaphore_mem>>) src(%arg9 : memref<80x128xf32, #tpu.memory_space<vmem>>) dst(%dma_wait3A_45 : memref<10240x128xf32, #tpu.memory_space<vmem_shared>>)
      }
      %scan3A_14 = arith.constant 5 : i32
      %barrier3A_15 = arith.constant 0 : index
      tpu.barrier barrier_id(%barrier3A_15)
      %mul3A_16 = arith.constant 640 : i32
      %mul3A_17 = arith.muli %arg1, %mul3A_16 : i32
      %mul3A_18 = arith.constant 640 : i32
      %mul3A_19 = arith.muli %arg1, %mul3A_18 : i32
      %run_scoped3A = arith.constant 0 : i32
      "tpu.region"() ({
        %run_scoped3A_20 = tpu.sem_alloc : memref<!tpu.dma_semaphore, #tpu.memory_space<semaphore_mem>>
        %dma_start3A = arith.constant 0 : i32
        %dma_start3A_21 = tpu.memref_slice %arg6[%run_scoped3A, %mul3A_19, %dma_start3A] : memref<2x10240x128xf32, #tpu.memory_space<hbm>> -> memref<1x640x128xf32, #tpu.memory_space<hbm>>
        %dma_start3A_22 = tpu.memref_squeeze %dma_start3A_21 : memref<1x640x128xf32, #tpu.memory_space<hbm>> -> memref<640x128xf32, #tpu.memory_space<hbm>>
        %dma_start3A_23 = arith.constant 0 : i32
        %dma_start3A_24 = tpu.memref_slice %arg13[%mul3A_17, %dma_start3A_23] : memref<10240x128xf32, #tpu.memory_space<vmem_shared>> -> memref<640x128xf32, #tpu.memory_space<vmem_shared>>
        tpu.enqueue_dma source(%dma_start3A_24 : memref<640x128xf32, #tpu.memory_space<vmem_shared>>) target(%dma_start3A_22 : memref<640x128xf32, #tpu.memory_space<hbm>>) target_semaphore(%run_scoped3A_20 : memref<!tpu.dma_semaphore, #tpu.memory_space<semaphore_mem>>)
        %dma_wait3A = arith.constant 0 : i32
        %dma_wait3A_25 = tpu.memref_slice %arg6[%run_scoped3A, %mul3A_19, %dma_wait3A] : memref<2x10240x128xf32, #tpu.memory_space<hbm>> -> memref<1x640x128xf32, #tpu.memory_space<hbm>>
        %dma_wait3A_26 = tpu.memref_squeeze %dma_wait3A_25 : memref<1x640x128xf32, #tpu.memory_space<hbm>> -> memref<640x128xf32, #tpu.memory_space<hbm>>
        %dma_wait3A_27 = arith.constant 0 : i32
        %dma_wait3A_28 = tpu.memref_slice %arg13[%mul3A_17, %dma_wait3A_27] : memref<10240x128xf32, #tpu.memory_space<vmem_shared>> -> memref<640x128xf32, #tpu.memory_space<vmem_shared>>
        tpu.wait_dma2 semaphore(%run_scoped3A_20 : memref<!tpu.dma_semaphore, #tpu.memory_space<semaphore_mem>>) src(%dma_wait3A_28 : memref<640x128xf32, #tpu.memory_space<vmem_shared>>) dst(%dma_wait3A_26 : memref<640x128xf32, #tpu.memory_space<hbm>>)
        tpu.yield
      }) : () -> ()
    } else {
    }
    %eq3A_2 = arith.constant 1 : i32
    %eq3A_3 = arith.cmpi eq, %arg0, %eq3A_2 : i32
    %convert_element_type3A_4 = arith.extui %eq3A_3 : i1 to i32
    %cond3A_5 = arith.constant 0 : i32
    %cond3A_6 = arith.cmpi ne, %convert_element_type3A_4, %cond3A_5 : i32
    scf.if %cond3A_6 {
      %mul3A = arith.constant 640 : i32
      %mul3A_7 = arith.muli %arg1, %mul3A : i32
      %mul3A_8 = arith.constant 640 : i32
      %mul3A_9 = arith.muli %arg1, %mul3A_8 : i32
      "tpu.region"() ({
        %run_scoped3A_20 = tpu.sem_alloc : memref<!tpu.dma_semaphore, #tpu.memory_space<semaphore_mem>>
        %dma_start3A = arith.constant 0 : i32
        %dma_start3A_21 = tpu.memref_slice %arg13[%mul3A_9, %dma_start3A] : memref<10240x128xf32, #tpu.memory_space<vmem_shared>> -> memref<640x128xf32, #tpu.memory_space<vmem_shared>>
        %dma_start3A_22 = arith.constant 0 : i32
        %dma_start3A_23 = tpu.memref_slice %arg3[%mul3A_7, %dma_start3A_22] : memref<10240x128xf32, #tpu.memory_space<hbm>> -> memref<640x128xf32, #tpu.memory_space<hbm>>
        tpu.enqueue_dma source(%dma_start3A_23 : memref<640x128xf32, #tpu.memory_space<hbm>>) target(%dma_start3A_21 : memref<640x128xf32, #tpu.memory_space<vmem_shared>>) target_semaphore(%run_scoped3A_20 : memref<!tpu.dma_semaphore, #tpu.memory_space<semaphore_mem>>)
        %dma_wait3A = arith.constant 0 : i32
        %dma_wait3A_24 = tpu.memref_slice %arg13[%mul3A_9, %dma_wait3A] : memref<10240x128xf32, #tpu.memory_space<vmem_shared>> -> memref<640x128xf32, #tpu.memory_space<vmem_shared>>
        %dma_wait3A_25 = arith.constant 0 : i32
        %dma_wait3A_26 = tpu.memref_slice %arg3[%mul3A_7, %dma_wait3A_25] : memref<10240x128xf32, #tpu.memory_space<hbm>> -> memref<640x128xf32, #tpu.memory_space<hbm>>
        tpu.wait_dma2 semaphore(%run_scoped3A_20 : memref<!tpu.dma_semaphore, #tpu.memory_space<semaphore_mem>>) src(%dma_wait3A_26 : memref<640x128xf32, #tpu.memory_space<hbm>>) dst(%dma_wait3A_24 : memref<640x128xf32, #tpu.memory_space<vmem_shared>>)
        tpu.yield
      }) : () -> ()
      %barrier3A = arith.constant 0 : index
      tpu.barrier barrier_id(%barrier3A)
      %scan3A = arith.constant 0 : i32
      %scan3A_10 = arith.constant 0 : i32
      %scan3A_11 = arith.constant 5 : i32
      %scan3A_12 = arith.addi %scan3A_10, %scan3A_11 : i32
      %scan3A_13 = arith.constant 1 : i32
      scf.for %scan3A_20 = %scan3A_10 to %scan3A_12 step %scan3A_13  : i32 {
        "tpu.region"() ({
          %run_scoped3A_46 = tpu.sem_alloc : memref<!tpu.dma_semaphore, #tpu.memory_space<semaphore_mem>>
          %dma_start3A_47 = arith.constant 0 : i32
          %dma_start3A_48 = arith.constant 0 : i32
          %dma_start3A_49 = tpu.memref_slice %arg4[%arg1, %scan3A_20, %dma_start3A_47, %dma_start3A_48] : memref<16x5x25x80xi32, #tpu.memory_space<hbm>> -> memref<1x1x25x80xi32, #tpu.memory_space<hbm>>
          %dma_start3A_50 = tpu.memref_squeeze %dma_start3A_49 : memref<1x1x25x80xi32, #tpu.memory_space<hbm>> -> memref<25x80xi32, #tpu.memory_space<hbm>>
          %dma_start3A_51 = arith.constant 0 : i32
          %dma_start3A_52 = arith.constant 0 : i32
          %dma_start3A_53 = tpu.memref_slice %arg4[%arg1, %scan3A_20, %dma_start3A_51, %dma_start3A_52] : memref<16x5x25x80xi32, #tpu.memory_space<hbm>> -> memref<1x1x25x80xi32, #tpu.memory_space<hbm>>
          %dma_start3A_54 = tpu.memref_squeeze %dma_start3A_53 : memref<1x1x25x80xi32, #tpu.memory_space<hbm>> -> memref<25x80xi32, #tpu.memory_space<hbm>>
          tpu.enqueue_dma source(%dma_start3A_54 : memref<25x80xi32, #tpu.memory_space<hbm>>) target(%arg7 : memref<25x80xi32, #tpu.memory_space<vmem>>) target_semaphore(%run_scoped3A_46 : memref<!tpu.dma_semaphore, #tpu.memory_space<semaphore_mem>>)
          %dma_wait3A_55 = arith.constant 0 : i32
          %dma_wait3A_56 = arith.constant 0 : i32
          %dma_wait3A_57 = tpu.memref_slice %arg4[%arg1, %scan3A_20, %dma_wait3A_55, %dma_wait3A_56] : memref<16x5x25x80xi32, #tpu.memory_space<hbm>> -> memref<1x1x25x80xi32, #tpu.memory_space<hbm>>
          %dma_wait3A_58 = tpu.memref_squeeze %dma_wait3A_57 : memref<1x1x25x80xi32, #tpu.memory_space<hbm>> -> memref<25x80xi32, #tpu.memory_space<hbm>>
          %dma_wait3A_59 = arith.constant 0 : i32
          %dma_wait3A_60 = arith.constant 0 : i32
          %dma_wait3A_61 = tpu.memref_slice %arg4[%arg1, %scan3A_20, %dma_wait3A_59, %dma_wait3A_60] : memref<16x5x25x80xi32, #tpu.memory_space<hbm>> -> memref<1x1x25x80xi32, #tpu.memory_space<hbm>>
          %dma_wait3A_62 = tpu.memref_squeeze %dma_wait3A_61 : memref<1x1x25x80xi32, #tpu.memory_space<hbm>> -> memref<25x80xi32, #tpu.memory_space<hbm>>
          tpu.wait_dma2 semaphore(%run_scoped3A_46 : memref<!tpu.dma_semaphore, #tpu.memory_space<semaphore_mem>>) src(%dma_wait3A_62 : memref<25x80xi32, #tpu.memory_space<hbm>>) dst(%arg7 : memref<25x80xi32, #tpu.memory_space<vmem>>)
          tpu.yield
        }) : () -> ()
        "tpu.region"() ({
          %run_scoped3A_46 = tpu.sem_alloc : memref<!tpu.dma_semaphore, #tpu.memory_space<semaphore_mem>>
          %dma_start3A_47 = arith.constant 0 : i32
          %dma_start3A_48 = arith.constant 0 : i32
          %dma_start3A_49 = tpu.memref_slice %arg5[%arg1, %scan3A_20, %dma_start3A_47, %dma_start3A_48] : memref<16x5x25x80xi32, #tpu.memory_space<hbm>> -> memref<1x1x25x80xi32, #tpu.memory_space<hbm>>
          %dma_start3A_50 = tpu.memref_squeeze %dma_start3A_49 : memref<1x1x25x80xi32, #tpu.memory_space<hbm>> -> memref<25x80xi32, #tpu.memory_space<hbm>>
          %dma_start3A_51 = arith.constant 0 : i32
          %dma_start3A_52 = arith.constant 0 : i32
          %dma_start3A_53 = tpu.memref_slice %arg5[%arg1, %scan3A_20, %dma_start3A_51, %dma_start3A_52] : memref<16x5x25x80xi32, #tpu.memory_space<hbm>> -> memref<1x1x25x80xi32, #tpu.memory_space<hbm>>
          %dma_start3A_54 = tpu.memref_squeeze %dma_start3A_53 : memref<1x1x25x80xi32, #tpu.memory_space<hbm>> -> memref<25x80xi32, #tpu.memory_space<hbm>>
          tpu.enqueue_dma source(%dma_start3A_54 : memref<25x80xi32, #tpu.memory_space<hbm>>) target(%arg8 : memref<25x80xi32, #tpu.memory_space<vmem>>) target_semaphore(%run_scoped3A_46 : memref<!tpu.dma_semaphore, #tpu.memory_space<semaphore_mem>>)
          %dma_wait3A_55 = arith.constant 0 : i32
          %dma_wait3A_56 = arith.constant 0 : i32
          %dma_wait3A_57 = tpu.memref_slice %arg5[%arg1, %scan3A_20, %dma_wait3A_55, %dma_wait3A_56] : memref<16x5x25x80xi32, #tpu.memory_space<hbm>> -> memref<1x1x25x80xi32, #tpu.memory_space<hbm>>
          %dma_wait3A_58 = tpu.memref_squeeze %dma_wait3A_57 : memref<1x1x25x80xi32, #tpu.memory_space<hbm>> -> memref<25x80xi32, #tpu.memory_space<hbm>>
          %dma_wait3A_59 = arith.constant 0 : i32
          %dma_wait3A_60 = arith.constant 0 : i32
          %dma_wait3A_61 = tpu.memref_slice %arg5[%arg1, %scan3A_20, %dma_wait3A_59, %dma_wait3A_60] : memref<16x5x25x80xi32, #tpu.memory_space<hbm>> -> memref<1x1x25x80xi32, #tpu.memory_space<hbm>>
          %dma_wait3A_62 = tpu.memref_squeeze %dma_wait3A_61 : memref<1x1x25x80xi32, #tpu.memory_space<hbm>> -> memref<25x80xi32, #tpu.memory_space<hbm>>
          tpu.wait_dma2 semaphore(%run_scoped3A_46 : memref<!tpu.dma_semaphore, #tpu.memory_space<semaphore_mem>>) src(%dma_wait3A_62 : memref<25x80xi32, #tpu.memory_space<hbm>>) dst(%arg8 : memref<25x80xi32, #tpu.memory_space<vmem>>)
          tpu.yield
        }) : () -> ()
        %dma_start3A = arith.constant 0 : i32
        %dma_start3A_21 = arith.constant 0 : i32
        %dma_start3A_22 = tpu.memref_slice %arg7[%dma_start3A, %dma_start3A_21] : memref<25x80xi32, #tpu.memory_space<vmem>> -> memref<1x80xi32, #tpu.memory_space<vmem>>
        %dma_start3A_23 = tpu.memref_squeeze %dma_start3A_22 : memref<1x80xi32, #tpu.memory_space<vmem>> -> memref<80xi32, #tpu.memory_space<vmem>>
        %dma_start3A_24 = arith.constant 0 : i32
        %dma_start3A_25 = arith.constant 0 : i32
        %dma_start3A_26 = tpu.memref_slice %arg3[%dma_start3A_24, %dma_start3A_25] : memref<10240x128xf32, #tpu.memory_space<hbm>> -> memref<10240x128xf32, #tpu.memory_space<hbm>>
        tpu.enqueue_indirect_dma source(%dma_start3A_26 : memref<10240x128xf32, #tpu.memory_space<hbm>>) target(%arg9 : memref<80x128xf32, #tpu.memory_space<vmem>>) offsets(%dma_start3A_23 : memref<80xi32, #tpu.memory_space<vmem>>) semaphore(%arg11 : memref<!tpu.dma_semaphore, #tpu.memory_space<semaphore_mem>>)
        %scan3A_27 = arith.constant 0 : i32
        %scan3A_28 = arith.constant 0 : i32
        %scan3A_29 = arith.constant 13 : i32
        %scan3A_30 = arith.addi %scan3A_28, %scan3A_29 : i32
        %scan3A_31 = arith.constant 1 : i32
        scf.for %scan3A_46 = %scan3A_28 to %scan3A_30 step %scan3A_31  : i32 {
          %mul3A_47 = arith.constant 2 : i32
          %mul3A_48 = arith.muli %scan3A_46, %mul3A_47 : i32
          %dma_wait3A_49 = arith.constant 0 : i32
          %dma_wait3A_50 = arith.constant 0 : i32
          %dma_wait3A_51 = tpu.memref_slice %arg7[%dma_wait3A_49, %dma_wait3A_50] : memref<25x80xi32, #tpu.memory_space<vmem>> -> memref<1x80xi32, #tpu.memory_space<vmem>>
          %dma_wait3A_52 = tpu.memref_squeeze %dma_wait3A_51 : memref<1x80xi32, #tpu.memory_space<vmem>> -> memref<80xi32, #tpu.memory_space<vmem>>
          %dma_wait3A_53 = arith.constant 0 : i32
          %dma_wait3A_54 = arith.constant 0 : i32
          %dma_wait3A_55 = tpu.memref_slice %arg3[%dma_wait3A_53, %dma_wait3A_54] : memref<10240x128xf32, #tpu.memory_space<hbm>> -> memref<10240x128xf32, #tpu.memory_space<hbm>>
          tpu.wait_indirect_dma semaphore(%arg11 : memref<!tpu.dma_semaphore, #tpu.memory_space<semaphore_mem>>) src(%dma_wait3A_55 : memref<10240x128xf32, #tpu.memory_space<hbm>>) dst(%arg9 : memref<80x128xf32, #tpu.memory_space<vmem>>)
          %add3A = arith.constant 1 : i32
          %add3A_56 = arith.addi %mul3A_48, %add3A : i32
          %lt3A = arith.constant 25 : i32
          %lt3A_57 = arith.cmpi slt, %add3A_56, %lt3A : i32
          %convert_element_type3A_58 = arith.extui %lt3A_57 : i1 to i32
          %cond3A_59 = arith.constant 0 : i32
          %cond3A_60 = arith.cmpi ne, %convert_element_type3A_58, %cond3A_59 : i32
          scf.if %cond3A_60 {
            %gt3A = arith.constant 0 : i32
            %gt3A_74 = arith.cmpi sgt, %mul3A_48, %gt3A : i32
            %convert_element_type3A_75 = arith.extui %gt3A_74 : i1 to i32
            %cond3A_76 = arith.constant 0 : i32
            %cond3A_77 = arith.cmpi ne, %convert_element_type3A_75, %cond3A_76 : i32
            scf.if %cond3A_77 {
              %dma_wait3A_86 = arith.constant 0 : i32
              %dma_wait3A_87 = arith.constant 0 : i32
              %dma_wait3A_88 = tpu.memref_slice %arg8[%dma_wait3A_86, %dma_wait3A_87] : memref<25x80xi32, #tpu.memory_space<vmem>> -> memref<1x80xi32, #tpu.memory_space<vmem>>
              %dma_wait3A_89 = tpu.memref_squeeze %dma_wait3A_88 : memref<1x80xi32, #tpu.memory_space<vmem>> -> memref<80xi32, #tpu.memory_space<vmem>>
              %dma_wait3A_90 = arith.constant 0 : i32
              %dma_wait3A_91 = arith.constant 0 : i32
              %dma_wait3A_92 = tpu.memref_slice %arg13[%dma_wait3A_90, %dma_wait3A_91] : memref<10240x128xf32, #tpu.memory_space<vmem_shared>> -> memref<10240x128xf32, #tpu.memory_space<vmem_shared>>
              tpu.wait_indirect_dma semaphore(%arg12 : memref<!tpu.dma_semaphore, #tpu.memory_space<semaphore_mem>>) src(%arg10 : memref<80x128xf32, #tpu.memory_space<vmem>>) dst(%dma_wait3A_92 : memref<10240x128xf32, #tpu.memory_space<vmem_shared>>)
            } else {
            }
            %add3A_78 = arith.constant 1 : i32
            %add3A_79 = arith.addi %mul3A_48, %add3A_78 : i32
            %dma_start3A_80 = arith.constant 0 : i32
            %dma_start3A_81 = tpu.memref_slice %arg7[%add3A_79, %dma_start3A_80] : memref<25x80xi32, #tpu.memory_space<vmem>> -> memref<1x80xi32, #tpu.memory_space<vmem>>
            %dma_start3A_82 = tpu.memref_squeeze %dma_start3A_81 : memref<1x80xi32, #tpu.memory_space<vmem>> -> memref<80xi32, #tpu.memory_space<vmem>>
            %dma_start3A_83 = arith.constant 0 : i32
            %dma_start3A_84 = arith.constant 0 : i32
            %dma_start3A_85 = tpu.memref_slice %arg3[%dma_start3A_83, %dma_start3A_84] : memref<10240x128xf32, #tpu.memory_space<hbm>> -> memref<10240x128xf32, #tpu.memory_space<hbm>>
            tpu.enqueue_indirect_dma source(%dma_start3A_85 : memref<10240x128xf32, #tpu.memory_space<hbm>>) target(%arg10 : memref<80x128xf32, #tpu.memory_space<vmem>>) offsets(%dma_start3A_82 : memref<80xi32, #tpu.memory_space<vmem>>) semaphore(%arg11 : memref<!tpu.dma_semaphore, #tpu.memory_space<semaphore_mem>>)
          } else {
          }
          %dma_start3A_61 = arith.constant 0 : i32
          %dma_start3A_62 = tpu.memref_slice %arg8[%mul3A_48, %dma_start3A_61] : memref<25x80xi32, #tpu.memory_space<vmem>> -> memref<1x80xi32, #tpu.memory_space<vmem>>
          %dma_start3A_63 = tpu.memref_squeeze %dma_start3A_62 : memref<1x80xi32, #tpu.memory_space<vmem>> -> memref<80xi32, #tpu.memory_space<vmem>>
          %dma_start3A_64 = arith.constant 0 : i32
          %dma_start3A_65 = arith.constant 0 : i32
          %dma_start3A_66 = tpu.memref_slice %arg13[%dma_start3A_64, %dma_start3A_65] : memref<10240x128xf32, #tpu.memory_space<vmem_shared>> -> memref<10240x128xf32, #tpu.memory_space<vmem_shared>>
          tpu.enqueue_indirect_dma source(%arg9 : memref<80x128xf32, #tpu.memory_space<vmem>>) target(%dma_start3A_66 : memref<10240x128xf32, #tpu.memory_space<vmem_shared>>) offsets(%dma_start3A_63 : memref<80xi32, #tpu.memory_space<vmem>>) semaphore(%arg12 : memref<!tpu.dma_semaphore, #tpu.memory_space<semaphore_mem>>) {add = true}
          %add3A_67 = arith.constant 1 : i32
          %add3A_68 = arith.addi %mul3A_48, %add3A_67 : i32
          %lt3A_69 = arith.constant 25 : i32
          %lt3A_70 = arith.cmpi slt, %add3A_68, %lt3A_69 : i32
          %convert_element_type3A_71 = arith.extui %lt3A_70 : i1 to i32
          %cond3A_72 = arith.constant 0 : i32
          %cond3A_73 = arith.cmpi ne, %convert_element_type3A_71, %cond3A_72 : i32
          scf.if %cond3A_73 {
            %dma_wait3A_74 = arith.constant 0 : i32
            %dma_wait3A_75 = arith.constant 0 : i32
            %dma_wait3A_76 = tpu.memref_slice %arg7[%dma_wait3A_74, %dma_wait3A_75] : memref<25x80xi32, #tpu.memory_space<vmem>> -> memref<1x80xi32, #tpu.memory_space<vmem>>
            %dma_wait3A_77 = tpu.memref_squeeze %dma_wait3A_76 : memref<1x80xi32, #tpu.memory_space<vmem>> -> memref<80xi32, #tpu.memory_space<vmem>>
            %dma_wait3A_78 = arith.constant 0 : i32
            %dma_wait3A_79 = arith.constant 0 : i32
            %dma_wait3A_80 = tpu.memref_slice %arg3[%dma_wait3A_78, %dma_wait3A_79] : memref<10240x128xf32, #tpu.memory_space<hbm>> -> memref<10240x128xf32, #tpu.memory_space<hbm>>
            tpu.wait_indirect_dma semaphore(%arg11 : memref<!tpu.dma_semaphore, #tpu.memory_space<semaphore_mem>>) src(%dma_wait3A_80 : memref<10240x128xf32, #tpu.memory_space<hbm>>) dst(%arg10 : memref<80x128xf32, #tpu.memory_space<vmem>>)
            %dma_wait3A_81 = arith.constant 0 : i32
            %dma_wait3A_82 = arith.constant 0 : i32
            %dma_wait3A_83 = tpu.memref_slice %arg8[%dma_wait3A_81, %dma_wait3A_82] : memref<25x80xi32, #tpu.memory_space<vmem>> -> memref<1x80xi32, #tpu.memory_space<vmem>>
            %dma_wait3A_84 = tpu.memref_squeeze %dma_wait3A_83 : memref<1x80xi32, #tpu.memory_space<vmem>> -> memref<80xi32, #tpu.memory_space<vmem>>
            %dma_wait3A_85 = arith.constant 0 : i32
            %dma_wait3A_86 = arith.constant 0 : i32
            %dma_wait3A_87 = tpu.memref_slice %arg13[%dma_wait3A_85, %dma_wait3A_86] : memref<10240x128xf32, #tpu.memory_space<vmem_shared>> -> memref<10240x128xf32, #tpu.memory_space<vmem_shared>>
            tpu.wait_indirect_dma semaphore(%arg12 : memref<!tpu.dma_semaphore, #tpu.memory_space<semaphore_mem>>) src(%arg9 : memref<80x128xf32, #tpu.memory_space<vmem>>) dst(%dma_wait3A_87 : memref<10240x128xf32, #tpu.memory_space<vmem_shared>>)
            %add3A_88 = arith.constant 2 : i32
            %add3A_89 = arith.addi %mul3A_48, %add3A_88 : i32
            %lt3A_90 = arith.constant 25 : i32
            %lt3A_91 = arith.cmpi slt, %add3A_89, %lt3A_90 : i32
            %convert_element_type3A_92 = arith.extui %lt3A_91 : i1 to i32
            %cond3A_93 = arith.constant 0 : i32
            %cond3A_94 = arith.cmpi ne, %convert_element_type3A_92, %cond3A_93 : i32
            scf.if %cond3A_94 {
              %add3A_103 = arith.constant 2 : i32
              %add3A_104 = arith.addi %mul3A_48, %add3A_103 : i32
              %dma_start3A_105 = arith.constant 0 : i32
              %dma_start3A_106 = tpu.memref_slice %arg7[%add3A_104, %dma_start3A_105] : memref<25x80xi32, #tpu.memory_space<vmem>> -> memref<1x80xi32, #tpu.memory_space<vmem>>
              %dma_start3A_107 = tpu.memref_squeeze %dma_start3A_106 : memref<1x80xi32, #tpu.memory_space<vmem>> -> memref<80xi32, #tpu.memory_space<vmem>>
              %dma_start3A_108 = arith.constant 0 : i32
              %dma_start3A_109 = arith.constant 0 : i32
              %dma_start3A_110 = tpu.memref_slice %arg3[%dma_start3A_108, %dma_start3A_109] : memref<10240x128xf32, #tpu.memory_space<hbm>> -> memref<10240x128xf32, #tpu.memory_space<hbm>>
              tpu.enqueue_indirect_dma source(%dma_start3A_110 : memref<10240x128xf32, #tpu.memory_space<hbm>>) target(%arg9 : memref<80x128xf32, #tpu.memory_space<vmem>>) offsets(%dma_start3A_107 : memref<80xi32, #tpu.memory_space<vmem>>) semaphore(%arg11 : memref<!tpu.dma_semaphore, #tpu.memory_space<semaphore_mem>>)
            } else {
            }
            %add3A_95 = arith.constant 1 : i32
            %add3A_96 = arith.addi %mul3A_48, %add3A_95 : i32
            %dma_start3A_97 = arith.constant 0 : i32
            %dma_start3A_98 = tpu.memref_slice %arg8[%add3A_96, %dma_start3A_97] : memref<25x80xi32, #tpu.memory_space<vmem>> -> memref<1x80xi32, #tpu.memory_space<vmem>>
            %dma_start3A_99 = tpu.memref_squeeze %dma_start3A_98 : memref<1x80xi32, #tpu.memory_space<vmem>> -> memref<80xi32, #tpu.memory_space<vmem>>
            %dma_start3A_100 = arith.constant 0 : i32
            %dma_start3A_101 = arith.constant 0 : i32
            %dma_start3A_102 = tpu.memref_slice %arg13[%dma_start3A_100, %dma_start3A_101] : memref<10240x128xf32, #tpu.memory_space<vmem_shared>> -> memref<10240x128xf32, #tpu.memory_space<vmem_shared>>
            tpu.enqueue_indirect_dma source(%arg10 : memref<80x128xf32, #tpu.memory_space<vmem>>) target(%dma_start3A_102 : memref<10240x128xf32, #tpu.memory_space<vmem_shared>>) offsets(%dma_start3A_99 : memref<80xi32, #tpu.memory_space<vmem>>) semaphore(%arg12 : memref<!tpu.dma_semaphore, #tpu.memory_space<semaphore_mem>>) {add = true}
          } else {
          }
        }
        %scan3A_32 = arith.constant 13 : i32
        %dma_wait3A = arith.constant 0 : i32
        %dma_wait3A_33 = arith.constant 0 : i32
        %dma_wait3A_34 = tpu.memref_slice %arg8[%dma_wait3A, %dma_wait3A_33] : memref<25x80xi32, #tpu.memory_space<vmem>> -> memref<1x80xi32, #tpu.memory_space<vmem>>
        %dma_wait3A_35 = tpu.memref_squeeze %dma_wait3A_34 : memref<1x80xi32, #tpu.memory_space<vmem>> -> memref<80xi32, #tpu.memory_space<vmem>>
        %dma_wait3A_36 = arith.constant 0 : i32
        %dma_wait3A_37 = arith.constant 0 : i32
        %dma_wait3A_38 = tpu.memref_slice %arg13[%dma_wait3A_36, %dma_wait3A_37] : memref<10240x128xf32, #tpu.memory_space<vmem_shared>> -> memref<10240x128xf32, #tpu.memory_space<vmem_shared>>
        tpu.wait_indirect_dma semaphore(%arg12 : memref<!tpu.dma_semaphore, #tpu.memory_space<semaphore_mem>>) src(%arg10 : memref<80x128xf32, #tpu.memory_space<vmem>>) dst(%dma_wait3A_38 : memref<10240x128xf32, #tpu.memory_space<vmem_shared>>)
        %dma_wait3A_39 = arith.constant 0 : i32
        %dma_wait3A_40 = arith.constant 0 : i32
        %dma_wait3A_41 = tpu.memref_slice %arg8[%dma_wait3A_39, %dma_wait3A_40] : memref<25x80xi32, #tpu.memory_space<vmem>> -> memref<1x80xi32, #tpu.memory_space<vmem>>
        %dma_wait3A_42 = tpu.memref_squeeze %dma_wait3A_41 : memref<1x80xi32, #tpu.memory_space<vmem>> -> memref<80xi32, #tpu.memory_space<vmem>>
        %dma_wait3A_43 = arith.constant 0 : i32
        %dma_wait3A_44 = arith.constant 0 : i32
        %dma_wait3A_45 = tpu.memref_slice %arg13[%dma_wait3A_43, %dma_wait3A_44] : memref<10240x128xf32, #tpu.memory_space<vmem_shared>> -> memref<10240x128xf32, #tpu.memory_space<vmem_shared>>
        tpu.wait_indirect_dma semaphore(%arg12 : memref<!tpu.dma_semaphore, #tpu.memory_space<semaphore_mem>>) src(%arg9 : memref<80x128xf32, #tpu.memory_space<vmem>>) dst(%dma_wait3A_45 : memref<10240x128xf32, #tpu.memory_space<vmem_shared>>)
      }
      %scan3A_14 = arith.constant 5 : i32
      %barrier3A_15 = arith.constant 0 : index
      tpu.barrier barrier_id(%barrier3A_15)
      %mul3A_16 = arith.constant 640 : i32
      %mul3A_17 = arith.muli %arg1, %mul3A_16 : i32
      %mul3A_18 = arith.constant 640 : i32
      %mul3A_19 = arith.muli %arg1, %mul3A_18 : i32
      %run_scoped3A = arith.constant 1 : i32
      "tpu.region"() ({
        %run_scoped3A_20 = tpu.sem_alloc : memref<!tpu.dma_semaphore, #tpu.memory_space<semaphore_mem>>
        %dma_start3A = arith.constant 0 : i32
        %dma_start3A_21 = tpu.memref_slice %arg6[%run_scoped3A, %mul3A_19, %dma_start3A] : memref<2x10240x128xf32, #tpu.memory_space<hbm>> -> memref<1x640x128xf32, #tpu.memory_space<hbm>>
        %dma_start3A_22 = tpu.memref_squeeze %dma_start3A_21 : memref<1x640x128xf32, #tpu.memory_space<hbm>> -> memref<640x128xf32, #tpu.memory_space<hbm>>
        %dma_start3A_23 = arith.constant 0 : i32
        %dma_start3A_24 = tpu.memref_slice %arg13[%mul3A_17, %dma_start3A_23] : memref<10240x128xf32, #tpu.memory_space<vmem_shared>> -> memref<640x128xf32, #tpu.memory_space<vmem_shared>>
        tpu.enqueue_dma source(%dma_start3A_24 : memref<640x128xf32, #tpu.memory_space<vmem_shared>>) target(%dma_start3A_22 : memref<640x128xf32, #tpu.memory_space<hbm>>) target_semaphore(%run_scoped3A_20 : memref<!tpu.dma_semaphore, #tpu.memory_space<semaphore_mem>>)
        %dma_wait3A = arith.constant 0 : i32
        %dma_wait3A_25 = tpu.memref_slice %arg6[%run_scoped3A, %mul3A_19, %dma_wait3A] : memref<2x10240x128xf32, #tpu.memory_space<hbm>> -> memref<1x640x128xf32, #tpu.memory_space<hbm>>
        %dma_wait3A_26 = tpu.memref_squeeze %dma_wait3A_25 : memref<1x640x128xf32, #tpu.memory_space<hbm>> -> memref<640x128xf32, #tpu.memory_space<hbm>>
        %dma_wait3A_27 = arith.constant 0 : i32
        %dma_wait3A_28 = tpu.memref_slice %arg13[%mul3A_17, %dma_wait3A_27] : memref<10240x128xf32, #tpu.memory_space<vmem_shared>> -> memref<640x128xf32, #tpu.memory_space<vmem_shared>>
        tpu.wait_dma2 semaphore(%run_scoped3A_20 : memref<!tpu.dma_semaphore, #tpu.memory_space<semaphore_mem>>) src(%dma_wait3A_28 : memref<640x128xf32, #tpu.memory_space<vmem_shared>>) dst(%dma_wait3A_26 : memref<640x128xf32, #tpu.memory_space<hbm>>)
        tpu.yield
      }) : () -> ()
    } else {
    }
    return
  }
}

module attributes {stable_mosaic.version = 14 : i64} {
  func.func @_mm_body(%arg0: i32, %arg1: memref<1024x256xf32, #tpu.memory_space<vmem>>, %arg2: memref<256x256xf32, #tpu.memory_space<vmem>>, %arg3: memref<2x1024x1xf32, #tpu.memory_space<vmem>>, %arg4: memref<1024x128xf32, #tpu.memory_space<vmem>>, %arg5: memref<1024x128xf32, #tpu.memory_space<vmem>>) attributes {dimension_semantics = [#tpu.dimension_semantics<arbitrary>], iteration_bounds = array<i64: 10>, scalar_prefetch = 0 : i64, scratch_operands = 0 : i64, tpu.core_type = #tpu.core_type<tc>, window_params = [{transform_indices = @transform_0, window_bounds = array<i64: 1024, 256>}, {pipeline_mode = #tpu.pipeline_mode<synchronous>, transform_indices = @transform_1, window_bounds = array<i64: 256, 256>}, {transform_indices = @transform_2, window_bounds = array<i64: 2, 1024, 1>}, {transform_indices = @transform_3, window_bounds = array<i64: 1024, 128>}, {transform_indices = @transform_4, window_bounds = array<i64: 1024, 128>}]} {
    %get3A = arith.constant 0 : index
    %get3A_0 = arith.constant 0 : index
    %get3A_1 = vector.load %arg1[%get3A, %get3A_0] : memref<1024x256xf32, #tpu.memory_space<vmem>>, vector<1024x256xf32>
    %get3A_2 = arith.constant 0 : index
    %get3A_3 = arith.constant 0 : index
    %get3A_4 = vector.load %arg2[%get3A_2, %get3A_3] : memref<256x256xf32, #tpu.memory_space<vmem>>, vector<256x256xf32>
    %dot_general3A = arith.constant dense<0.000000e+00> : vector<1024x256xf32>
    %dot_general3A_5 = tpu.matmul %get3A_1, %get3A_4, %dot_general3A {dimension_numbers = #tpu.dot_dimension_numbers<[1], [1], [0], [0], [0, 0, 1, 0], [], []>, transpose_lhs_hint = false} : vector<1024x256xf32>, vector<256x256xf32>, vector<1024x256xf32> -> vector<1024x256xf32>
    %get3A_6 = arith.constant 0 : index
    %get3A_7 = arith.constant 0 : index
    %get3A_8 = arith.constant 0 : index
    %get3A_9 = vector.load %arg3[%get3A_6, %get3A_7, %get3A_8] : memref<2x1024x1xf32, #tpu.memory_space<vmem>>, vector<1x1024x1xf32>
    %get3A_10 = vector.shape_cast %get3A_9 : vector<1x1024x1xf32> to vector<1024x1xf32>
    %get3A_11 = arith.constant 1 : index
    %get3A_12 = arith.constant 0 : index
    %get3A_13 = arith.constant 0 : index
    %get3A_14 = vector.load %arg3[%get3A_11, %get3A_12, %get3A_13] : memref<2x1024x1xf32, #tpu.memory_space<vmem>>, vector<1x1024x1xf32>
    %get3A_15 = vector.shape_cast %get3A_14 : vector<1x1024x1xf32> to vector<1024x1xf32>
    %add3A = arith.addf %get3A_10, %get3A_15 : vector<1024x1xf32>
    %add3A_16 = arith.constant 1.000000e+00 : f32
    %add3A_17 = vector.broadcast %add3A_16 : f32 to vector<1024x1xf32>
    %add3A_18 = arith.addf %add3A, %add3A_17 : vector<1024x1xf32>
    %rsqrt3A = math.rsqrt %add3A_18 : vector<1024x1xf32>
    %mul3A = vector.broadcast %rsqrt3A : vector<1024x1xf32> to vector<1024x256xf32>
    %mul3A_19 = arith.mulf %dot_general3A_5, %mul3A : vector<1024x256xf32>
    %slice3A = vector.extract_strided_slice %mul3A_19 {offsets = [0, 0], sizes = [1024, 128], strides = [1, 1]} : vector<1024x256xf32> to vector<1024x128xf32>
    %swap3A = arith.constant 0 : index
    %swap3A_20 = arith.constant 0 : index
    %swap3A_21 = vector.load %arg4[%swap3A, %swap3A_20] : memref<1024x128xf32, #tpu.memory_space<vmem>>, vector<1024x128xf32>
    tpu.vector_store %arg4[%swap3A, %swap3A_20], %slice3A {strides = array<i32>} : memref<1024x128xf32, #tpu.memory_space<vmem>>, vector<1024x128xf32>,
    %slice3A_22 = vector.extract_strided_slice %mul3A_19 {offsets = [0, 128], sizes = [1024, 128], strides = [1, 1]} : vector<1024x256xf32> to vector<1024x128xf32>
    %swap3A_23 = arith.constant 0 : index
    %swap3A_24 = arith.constant 0 : index
    %swap3A_25 = vector.load %arg5[%swap3A_23, %swap3A_24] : memref<1024x128xf32, #tpu.memory_space<vmem>>, vector<1024x128xf32>
    tpu.vector_store %arg5[%swap3A_23, %swap3A_24], %slice3A_22 {strides = array<i32>} : memref<1024x128xf32, #tpu.memory_space<vmem>>, vector<1024x128xf32>,
    return
  }
  func.func @transform_0(%arg0: i32) -> (i32, i32) {
    %c0_i32 = arith.constant 0 : i32
    %c0_i32_0 = arith.constant 0 : i32
    return %arg0, %c0_i32 : i32, i32
  }
  func.func @transform_1(%arg0: i32) -> (i32, i32) {
    %c0_i32 = arith.constant 0 : i32
    %c0_i32_0 = arith.constant 0 : i32
    %c0_i32_1 = arith.constant 0 : i32
    return %c0_i32, %c0_i32_0 : i32, i32
  }
  func.func @transform_2(%arg0: i32) -> (i32, i32, i32) {
    %c0_i32 = arith.constant 0 : i32
    %c0_i32_0 = arith.constant 0 : i32
    %c0_i32_1 = arith.constant 0 : i32
    return %c0_i32, %arg0, %c0_i32_0 : i32, i32, i32
  }
  func.func @transform_3(%arg0: i32) -> (i32, i32) {
    %c0_i32 = arith.constant 0 : i32
    %c0_i32_0 = arith.constant 0 : i32
    return %arg0, %c0_i32 : i32, i32
  }
  func.func @transform_4(%arg0: i32) -> (i32, i32) {
    %c0_i32 = arith.constant 0 : i32
    %c0_i32_0 = arith.constant 0 : i32
    return %arg0, %c0_i32 : i32, i32
  }
}

module attributes {stable_mosaic.version = 14 : i64} {
  func.func @_ln_body(%arg0: i32, %arg1: memref<2x1024x128xf32, #tpu.memory_space<vmem>>, %arg2: memref<2x1024x1xf32, #tpu.memory_space<vmem>>, %arg3: memref<1x256xf32, #tpu.memory_space<vmem>>, %arg4: memref<1x256xf32, #tpu.memory_space<vmem>>, %arg5: memref<1x256xf32, #tpu.memory_space<vmem>>, %arg6: memref<1024x256xf32, #tpu.memory_space<vmem>>) attributes {dimension_semantics = [#tpu.dimension_semantics<arbitrary>], iteration_bounds = array<i64: 10>, scalar_prefetch = 0 : i64, scratch_operands = 0 : i64, tpu.core_type = #tpu.core_type<tc>, window_params = [{transform_indices = @transform_0, window_bounds = array<i64: 2, 1024, 128>}, {transform_indices = @transform_1, window_bounds = array<i64: 2, 1024, 1>}, {pipeline_mode = #tpu.pipeline_mode<synchronous>, transform_indices = @transform_2, window_bounds = array<i64: 1, 256>}, {pipeline_mode = #tpu.pipeline_mode<synchronous>, transform_indices = @transform_3, window_bounds = array<i64: 1, 256>}, {pipeline_mode = #tpu.pipeline_mode<synchronous>, transform_indices = @transform_4, window_bounds = array<i64: 1, 256>}, {transform_indices = @transform_5, window_bounds = array<i64: 1024, 256>}]} {
    %get3A = arith.constant 0 : index
    %get3A_0 = arith.constant 0 : index
    %get3A_1 = arith.constant 0 : index
    %get3A_2 = vector.load %arg2[%get3A, %get3A_0, %get3A_1] : memref<2x1024x1xf32, #tpu.memory_space<vmem>>, vector<1x1024x1xf32>
    %get3A_3 = vector.shape_cast %get3A_2 : vector<1x1024x1xf32> to vector<1024x1xf32>
    %get3A_4 = arith.constant 1 : index
    %get3A_5 = arith.constant 0 : index
    %get3A_6 = arith.constant 0 : index
    %get3A_7 = vector.load %arg2[%get3A_4, %get3A_5, %get3A_6] : memref<2x1024x1xf32, #tpu.memory_space<vmem>>, vector<1x1024x1xf32>
    %get3A_8 = vector.shape_cast %get3A_7 : vector<1x1024x1xf32> to vector<1024x1xf32>
    %add3A = arith.addf %get3A_3, %get3A_8 : vector<1024x1xf32>
    %add3A_9 = arith.constant 1.000000e+00 : f32
    %add3A_10 = vector.broadcast %add3A_9 : f32 to vector<1024x1xf32>
    %add3A_11 = arith.addf %add3A, %add3A_10 : vector<1024x1xf32>
    %rsqrt3A = math.rsqrt %add3A_11 : vector<1024x1xf32>
    %get3A_12 = arith.constant 0 : index
    %get3A_13 = arith.constant 0 : index
    %get3A_14 = arith.constant 0 : index
    %get3A_15 = vector.load %arg1[%get3A_12, %get3A_13, %get3A_14] : memref<2x1024x128xf32, #tpu.memory_space<vmem>>, vector<1x1024x128xf32>
    %get3A_16 = vector.shape_cast %get3A_15 : vector<1x1024x128xf32> to vector<1024x128xf32>
    %mul3A = vector.broadcast %rsqrt3A : vector<1024x1xf32> to vector<1024x128xf32>
    %mul3A_17 = arith.mulf %get3A_16, %mul3A : vector<1024x128xf32>
    %get3A_18 = arith.constant 1 : index
    %get3A_19 = arith.constant 0 : index
    %get3A_20 = arith.constant 0 : index
    %get3A_21 = vector.load %arg1[%get3A_18, %get3A_19, %get3A_20] : memref<2x1024x128xf32, #tpu.memory_space<vmem>>, vector<1x1024x128xf32>
    %get3A_22 = vector.shape_cast %get3A_21 : vector<1x1024x128xf32> to vector<1024x128xf32>
    %mul3A_23 = vector.broadcast %rsqrt3A : vector<1024x1xf32> to vector<1024x128xf32>
    %mul3A_24 = arith.mulf %get3A_22, %mul3A_23 : vector<1024x128xf32>
    %concatenate3A = tpu.concatenate %mul3A_17, %mul3A_24 in 1 : vector<1024x128xf32>, vector<1024x128xf32> -> vector<1024x256xf32>
    %get3A_25 = arith.constant 0 : index
    %get3A_26 = arith.constant 0 : index
    %get3A_27 = vector.load %arg3[%get3A_25, %get3A_26] : memref<1x256xf32, #tpu.memory_space<vmem>>, vector<1x256xf32>
    %add3A_28 = vector.broadcast %get3A_27 : vector<1x256xf32> to vector<1024x256xf32>
    %add3A_29 = arith.addf %concatenate3A, %add3A_28 : vector<1024x256xf32>
    %reduce_sum3A = arith.constant dense<0.000000e+00> : vector<1024xf32>
    %reduce_sum3A_30 = vector.multi_reduction <add>, %add3A_29, %reduce_sum3A [1] : vector<1024x256xf32> to vector<1024xf32>
    %broadcast_in_dim3A = vector.shape_cast %reduce_sum3A_30 : vector<1024xf32> to vector<1024x1xf32>
    %div3A = arith.constant 2.560000e+02 : f32
    %div3A_31 = vector.broadcast %div3A : f32 to vector<1024x1xf32>
    %div3A_32 = arith.divf %broadcast_in_dim3A, %div3A_31 : vector<1024x1xf32>
    %sub3A = vector.broadcast %div3A_32 : vector<1024x1xf32> to vector<1024x256xf32>
    %sub3A_33 = arith.subf %add3A_29, %sub3A : vector<1024x256xf32>
    %integer_pow3A = arith.mulf %sub3A_33, %sub3A_33 : vector<1024x256xf32>
    %reduce_sum3A_34 = arith.constant dense<0.000000e+00> : vector<1024xf32>
    %reduce_sum3A_35 = vector.multi_reduction <add>, %integer_pow3A, %reduce_sum3A_34 [1] : vector<1024x256xf32> to vector<1024xf32>
    %broadcast_in_dim3A_36 = vector.shape_cast %reduce_sum3A_35 : vector<1024xf32> to vector<1024x1xf32>
    %div3A_37 = arith.constant 2.560000e+02 : f32
    %div3A_38 = vector.broadcast %div3A_37 : f32 to vector<1024x1xf32>
    %div3A_39 = arith.divf %broadcast_in_dim3A_36, %div3A_38 : vector<1024x1xf32>
    %sub3A_40 = vector.broadcast %div3A_32 : vector<1024x1xf32> to vector<1024x256xf32>
    %sub3A_41 = arith.subf %add3A_29, %sub3A_40 : vector<1024x256xf32>
    %add3A_42 = arith.constant 9.99999974E-6 : f32
    %add3A_43 = vector.broadcast %add3A_42 : f32 to vector<1024x1xf32>
    %add3A_44 = arith.addf %div3A_39, %add3A_43 : vector<1024x1xf32>
    %rsqrt3A_45 = math.rsqrt %add3A_44 : vector<1024x1xf32>
    %mul3A_46 = vector.broadcast %rsqrt3A_45 : vector<1024x1xf32> to vector<1024x256xf32>
    %mul3A_47 = arith.mulf %sub3A_41, %mul3A_46 : vector<1024x256xf32>
    %get3A_48 = arith.constant 0 : index
    %get3A_49 = arith.constant 0 : index
    %get3A_50 = vector.load %arg4[%get3A_48, %get3A_49] : memref<1x256xf32, #tpu.memory_space<vmem>>, vector<1x256xf32>
    %mul3A_51 = vector.broadcast %get3A_50 : vector<1x256xf32> to vector<1024x256xf32>
    %mul3A_52 = arith.mulf %mul3A_47, %mul3A_51 : vector<1024x256xf32>
    %get3A_53 = arith.constant 0 : index
    %get3A_54 = arith.constant 0 : index
    %get3A_55 = vector.load %arg5[%get3A_53, %get3A_54] : memref<1x256xf32, #tpu.memory_space<vmem>>, vector<1x256xf32>
    %add3A_56 = vector.broadcast %get3A_55 : vector<1x256xf32> to vector<1024x256xf32>
    %add3A_57 = arith.addf %mul3A_52, %add3A_56 : vector<1024x256xf32>
    %swap3A = arith.constant 0 : index
    %swap3A_58 = arith.constant 0 : index
    %swap3A_59 = vector.load %arg6[%swap3A, %swap3A_58] : memref<1024x256xf32, #tpu.memory_space<vmem>>, vector<1024x256xf32>
    tpu.vector_store %arg6[%swap3A, %swap3A_58], %add3A_57 {strides = array<i32>} : memref<1024x256xf32, #tpu.memory_space<vmem>>, vector<1024x256xf32>,
    return
  }
  func.func @transform_0(%arg0: i32) -> (i32, i32, i32) {
    %c0_i32 = arith.constant 0 : i32
    %c0_i32_0 = arith.constant 0 : i32
    %c0_i32_1 = arith.constant 0 : i32
    return %c0_i32, %arg0, %c0_i32_0 : i32, i32, i32
  }
  func.func @transform_1(%arg0: i32) -> (i32, i32, i32) {
    %c0_i32 = arith.constant 0 : i32
    %c0_i32_0 = arith.constant 0 : i32
    %c0_i32_1 = arith.constant 0 : i32
    return %c0_i32, %arg0, %c0_i32_0 : i32, i32, i32
  }
  func.func @transform_2(%arg0: i32) -> (i32, i32) {
    %c0_i32 = arith.constant 0 : i32
    %c0_i32_0 = arith.constant 0 : i32
    %c0_i32_1 = arith.constant 0 : i32
    return %c0_i32, %c0_i32_0 : i32, i32
  }
  func.func @transform_3(%arg0: i32) -> (i32, i32) {
    %c0_i32 = arith.constant 0 : i32
    %c0_i32_0 = arith.constant 0 : i32
    %c0_i32_1 = arith.constant 0 : i32
    return %c0_i32, %c0_i32_0 : i32, i32
  }
  func.func @transform_4(%arg0: i32) -> (i32, i32) {
    %c0_i32 = arith.constant 0 : i32
    %c0_i32_0 = arith.constant 0 : i32
    %c0_i32_1 = arith.constant 0 : i32
    return %c0_i32, %c0_i32_0 : i32, i32
  }
  func.func @transform_5(%arg0: i32) -> (i32, i32) {
    %c0_i32 = arith.constant 0 : i32
    %c0_i32_0 = arith.constant 0 : i32
    return %arg0, %c0_i32 : i32, i32
  }
}

</mosaic_0001>

<sc_bundles>
// kernel: kernel.6.cloned.1.call-start
scs
__scs_entry_jumppad:
0x0: {  	(pc) =	sbr.rel $0x88, $3  }
0x1: {  	(tag) =	ssettag $0x0;
	lr =	simm.s32 $0x1  }
0x2: {  	[smem:$0x3F9B] =	sst lr;
	_ =	strace $0xD0000000  }
0x3: {  	_ = 	snop  }
0x4: {  	_ = 	snop  }
0x5: {  	_ = 	snop  }
0x6: {  	_ = 	snop  }
0x7: {  	_ = 	snop  }
__scs_overlays_trampoline_lowered:
0x8: {  	[smem:$0x3FAA] =	sst s0  }
0x9: {  	[smem:$0x3FAB] =	sst s1  }
0xa: {  	[smem:$0x3FAC] =	sst s2  }
0xb: {  	[smem:$0x3FAD] =	sst s3  }
0xc: {  	[smem:$0x3FAE] =	sst s4  }
0xd: {  	[smem:$0x3FAF] =	sst s5  }
0xe: {  	[smem:$0x3FB0] =	sst s6  }
0xf: {  	[smem:$0x3FB1] =	sst s7  }
0x10: {  	[smem:$0x3FB2] =	sst s8  }
0x11: {  	[smem:$0x3FB3] =	sst s9;
	s0 =	simm.s32 @!p0 $0x0  }
0x12: {  	s1 =	sld [smem:$0x3F99];
	s0 =	simm.s32 @p0 $0x1  }
0x13: {  	[smem:$0x3FB4] =	sst s0;
	s0 =	simm.s32 @!p1 $0x0  }
0x14: {  	s2 =	sld [smem:$0x3F98];
	s0 =	simm.s32 @p1 $0x1  }
0x15: {  	[smem:$0x3FB5] =	sst s0;
	s0 =	simm.s32 @!p2 $0x0  }
0x16: {  	s3 =	sld [smem:$0x3FDB];
	s0 =	simm.s32 @p2 $0x1  }
0x17: {  	s4 =	simm.s32 $0x1BF5;
	[smem:$0x3FB7] =	sst s0  }
0x18: {  	s0 =	sld [smem:$0x3F9A];
	_ =	swait.ge [sflag:s4], $0x0  }
0x19: {  	s7 =	sld [smem:$0x3F9B]  }
0x1a: {  	s8 =	sadd.s32 $0xFFFFE003, lr  }
0x1b: {  	s9 =	sadd.s32 $0xFFFFFEF7, lr;
	s5 =	simm.s32 $0xFFFFFFFF;
	p2 =	slt.u32 s8, $0xFFFFF086  }
0x1c: {  	p1 =	slt.u32 s9, $0xF7A;
	s5 =	simm.s32 @!p2 $0x0  }
0x1d: {  	s5 =	simm.s32 @p1 $0x1;
	p0 =	seq.s32 s7, s2  }
0x1e: {  	s7 =	smul.u32 @!p0 $0xF7A, s2;
	p2 =	seq.s32 @!p0 s5, $0x0  }
0x1f: {  	s9 =	smul.u32 $0xF7A, s1;
	s8 =	simm.s32 @!p0 $0x1BF5;
	p2 =	por !p2, p0  }
0x20: {  	[sflag:s8] =	ssyncset.s32 @!p0 $0xFFFFF086;
	s6 =	sadd.s32 @!p0 s3, s7;
	s7 =	simm.s32 @!p0 $0x108  }
0x21: {  	s3 =	sadd.s32 s3, s9;
	s6 =	sadd.s32 @!p0 $0x88, s6;
	s7 =	simm.s32 @p2 $0x1082  }
0x22: {  	[simem:s7], [sflag:s8] =	dma.local @!p0 [hbm:s6], $0xF7A  }
0x23: {  	s9 =	sor.u32 $0xD0000000, s2;
	s6 =	simm.s32 $0x108;
	_ =	swait.ge @!p0 [sflag:s8], $0x0  }
0x24: {  	s3 =	sadd.s32 $0x88, s3;
	s6 =	simm.s32 @!p1 $0x1082;
	[sflag:s4] =	ssyncset.s32 $0xFFFFF086  }
0x25: {  	[simem:s6], [sflag:s4] =	dma.local [hbm:s3], $0xF7A  }
0x26: {  	[smem:$0x3F9B] =	sst s1;
	(tag) =	ssettag s2;
	_ =	strace s9  }
0x27: {  	s1 =	sld [smem:$0x3FAB]  }
0x28: {  	s2 =	sld [smem:$0x3FAC]  }
0x29: {  	s4 =	sld [smem:$0x3FAE]  }
0x2a: {  	p0 =	seq.s32 s5, $0x0;
	s5 =	sld [smem:$0x3FAF]  }
0x2b: {  	s6 =	sld [smem:$0x3FB0]  }
0x2c: {  	s7 =	sld [smem:$0x3FB1]  }
0x2d: {  	s3 =	simm.s32 $0x108;
	s8 =	sld [smem:$0x3FB2]  }
0x2e: {  	s3 =	simm.s32 @!p0 $0x1082;
	s9 =	sld [smem:$0x3FB3]  }
0x2f: {  	lr =	sadd.s32 s0, s3;
	s0 =	sld [smem:$0x3FAA]  }
0x30: {  	s3 =	sld [smem:$0x3FAD]  }
0x31: {  	[smem:$0x3FB6] =	sst s10  }
0x32: {  	s10 =	sld [smem:$0x3FB4];
	_ =	sdelay $0x3  }
0x33: {  	p0 =	seq.s32 s10, $0x1;
	s10 =	sld [smem:$0x3FB6];
	_ =	sdelay $0x3  }
0x34: {  	[smem:$0x3FB6] =	sst s10  }
0x35: {  	s10 =	sld [smem:$0x3FB5];
	_ =	sdelay $0x3  }
0x36: {  	p1 =	seq.s32 s10, $0x1;
	s10 =	sld [smem:$0x3FB6];
	_ =	sdelay $0x3  }
0x37: {  	[smem:$0x3FB6] =	sst s10  }
0x38: {  	s10 =	sld [smem:$0x3FB7]  }
0x39: {  	_ = 	snop;
	(pc) =	sbr.ind lr, $3  }
0x3a: {  	_ = 	snop  }
0x3b: {  	_ = 	snop  }
0x3c: {  	p2 =	seq.s32 s10, $0x1;
	s10 =	sld [smem:$0x3FB6]  }
0x3d: {  	_ =	shalt  }
0x3e: {  	_ =	shalt  }
0x3f: {  	_ =	shalt  }
0x40: {  	_ =	shalt  }
0x41: {  	_ =	shalt  }
0x42: {  	_ =	shalt  }
0x43: {  	_ =	shalt  }
0x44: {  	_ =	shalt  }
0x45: {  	_ =	shalt  }
0x46: {  	_ =	shalt  }
0x47: {  	_ =	shalt  }
0x48: {  	_ =	shalt  }
0x49: {  	_ =	shalt  }
0x4a: {  	_ =	shalt  }
0x4b: {  	_ =	shalt  }
0x4c: {  	_ =	shalt  }
0x4d: {  	_ =	shalt  }
0x4e: {  	_ =	shalt  }
0x4f: {  	_ =	shalt  }
0x50: {  	_ =	shalt  }
0x51: {  	_ =	shalt  }
0x52: {  	_ =	shalt  }
0x53: {  	_ =	shalt  }
0x54: {  	_ =	shalt  }
0x55: {  	_ =	shalt  }
0x56: {  	_ =	shalt  }
0x57: {  	_ =	shalt  }
0x58: {  	_ =	shalt  }
0x59: {  	_ =	shalt  }
0x5a: {  	_ =	shalt  }
0x5b: {  	_ =	shalt  }
0x5c: {  	_ =	shalt  }
0x5d: {  	_ =	shalt  }
0x5e: {  	_ =	shalt  }
0x5f: {  	_ =	shalt  }
0x60: {  	_ =	shalt  }
0x61: {  	_ =	shalt  }
0x62: {  	_ =	shalt  }
0x63: {  	_ =	shalt  }
0x64: {  	_ =	shalt  }
0x65: {  	_ =	shalt  }
0x66: {  	_ =	shalt  }
0x67: {  	_ =	shalt  }
0x68: {  	_ =	shalt  }
0x69: {  	_ =	shalt  }
0x6a: {  	_ =	shalt  }
0x6b: {  	_ =	shalt  }
0x6c: {  	_ =	shalt  }
0x6d: {  	_ =	shalt  }
0x6e: {  	_ =	shalt  }
0x6f: {  	_ =	shalt  }
0x70: {  	_ =	shalt  }
0x71: {  	_ =	shalt  }
0x72: {  	_ =	shalt  }
0x73: {  	_ =	shalt  }
0x74: {  	_ =	shalt  }
0x75: {  	_ =	shalt  }
0x76: {  	_ =	shalt  }
0x77: {  	_ =	shalt  }
0x78: {  	_ =	shalt  }
0x79: {  	_ =	shalt  }
0x7a: {  	_ =	shalt  }
0x7b: {  	_ =	shalt  }
0x7c: {  	_ =	shalt  }
0x7d: {  	_ =	shalt  }
0x7e: {  	_ =	shalt  }
0x7f: {  	_ =	shalt  }
0x80: {  	_ =	shalt  }
0x81: {  	_ =	shalt  }
0x82: {  	_ =	shalt  }
0x83: {  	_ =	shalt  }
0x84: {  	_ =	shalt  }
0x85: {  	_ =	shalt  }
0x86: {  	_ =	shalt  }
0x87: {  	_ =	shalt  }
.Lfunc_end0:
.L_simem_size_0:
called_computation_lowered:
.L_overlay_start_0:
0x88: {  	s2 =	sld [smem:$0x3FD9]  }
0x89: {  	s3 =	sld [smem:$0x3FFE];
	_ =	sdelay $0x1  }
0x8a: {  	s1 =	srdreg.scid  }
0x8b: {  	s0 =	sand.u32 $0x1, s1  }
0x8c: {  	s17 =	sshll.u32 s0, $0xA;
	s2 =	sadd.s32 s3, s2  }
0x8d: {  	s2 =	sadd.s32 s2, s17  }
0x8e: {  	[smem:$0x3FC2] =	sst s2  }
0x8f: {  	_ = 	snop  }
0x90: {  	s2 =	sld [smem:$0x3FD0];
	(tm) =	ssettm $0x1  }
0x91: {  	s18 =	sld [smem:$0x3FFB];
	_ =	sdelay $0x3  }
0x92: {  	_ =	strace s18  }
0x93: {  	s3 =	sld [smem:$0x3FFC];
	_ =	sdelay $0x3  }
0x94: {  	_ =	strace s3  }
0x95: {  	s3 =	sld [smem:$0x3FFD];
	_ =	sdelay $0x3  }
0x96: {  	_ =	strace s3  }
0x97: {  	_ =	strace $0x8FFFFFFF  }
0x98: {  	s19 =	sld [smem:$0x3FDB];
	_ =	sdelay $0x1  }
0x99: {  	s4 =	simm.s32 $_scs_section_size  }
0x9a: {  	s5 =	simm.s32 $_size__tile_overlayer_lowered;
	s6 =	simm.s32 $_tile_overlayer_lowered  }
0x9b: {  	s22 =	simm.s32 $0x1BFF;
	s21 =	sshll.u32 s6, $0x1;
	s3 =	sadd.s32 s4, s19  }
0x9c: {  	s7 =	simm.s32 $0x0;
	s20 =	sshll.u32 s5, $0x1;
	s5 =	sadd.s32 s21, s3  }
0x9d: {  	[timem:s7], [sflag:s22] =	dma.local [hbm:s5], s20  }
0x9e: {  	_ =	swait.ge [sflag:s22], s20  }
0x9f: {  	s4 =	ssub.s32 $0x0, s20;
	[sflag:s22] =	ssyncset.done $0x0  }
0xa0: {  	[sflag:s22] =	ssyncadd.s32 s4;
	_ =	sdelay $0x1  }
0xa1: {  	s23 =	simm.s32 $0x1B8B  }
0xa2: {  	_ =	swait.ge [sflag:s23], $0x1  }
0xa3: {  	[sflag:s23] =	ssyncset.done $0x0  }
0xa4: {  	s25 =	simm.s32 $0x1B8E;
	s24 =	sld [smem:$0x3FFE];
	[sflag:s23] =	ssyncadd.s32 $0xFFFFFFFF  }
0xa5: {  	s26 =	simm.s32 $execute0_lowered;
	[smem:$0x3FD2] =	sst s25  }
0xa6: {  	s5 =	sshll.u32 s26, $0x1;
	_ =	strace $0x80000046;
	[dreg:$0x1] =	wrdreg $0xFFFFFFFF  }
0xa7: {  	s28 =	simm.s32 $_size_execute0_lowered;
	s3 =	sadd.s32 s3, s5;
	[dreg:$0x0] =	wrdreg $0x0  }
0xa8: {  	s5 =	sshll.u32 s28, $0x1;
	[dreg:$0x2] =	wrdreg s3  }
0xa9: {  	[dreg:$0x3] =	wrdreg s5  }
0xaa: {  	[dreg:$0x4] =	wrdreg $0xC0  }
0xab: {  	_ =	task [dreg:s7], $0x5FFFF  }
0xac: {  	[dreg:$0x1] =	wrdreg $0xFFFFFFFF  }
0xad: {  	[dreg:$0x0] =	wrdreg $0x60  }
0xae: {  	[dreg:$0x2] =	wrdreg s2  }
0xaf: {  	[dreg:$0x3] =	wrdreg s24  }
0xb0: {  	[dreg:$0x4] =	wrdreg $0x43000  }
0xb1: {  	[dreg:$0x5] =	wrdreg $0x9  }
0xb2: {  	_ =	task.clear_ibuf [dreg:s7], $0x6FFFF;
	_ =	strace $0x90000046  }
0xb3: {  	s29 =	simm.s32 $0x9;
	_ =	strace $0x80000048  }
0xb4: {  	_ =	swait.ge [sflag:s29], $0x1  }
0xb5: {  	[sflag:s29] =	ssyncadd.s32 $0xFFFFFFFF  }
0xb6: {  	_ =	strace $0x90000048  }
0xb7: {  	_ =	sfence  }
0xb8: {  	s30 =	sld [smem:$0x0];
	_ =	sdelay $0x2  }
0xb9: {  	s31 =	sshll.u32 s1, $0xD;
	s1 =	sshrl.u32 s1, $0x2  }
0xba: {  	s3 =	sand.u32 $0x4000, s31;
	s1 =	sadd.s32 s1, s30  }
0xbb: {  	s0 =	sor.u32 s3, s0;
	s1 =	sshll.u32 s1, $0x11  }
0xbc: {  	s0 =	sor.u32 s1, s0  }
0xbd: {  	s0 =	sadd.s32 $0x8F2B, s0  }
0xbe: {  	[sflag:s0] =	ssyncadd.remote.s32 $0x1  }
0xbf: {  	_ =	sfence.sel $0xFFFF  }
0xc0: {  	[dreg:$0x0] =	wrdreg $0xFFFFFFFF;
	(pc) =	sbr.abs _section_cstart, $3  }
0xc1: {  	[dreg:$0x1] =	wrdreg $0xFFFFFFFF  }
0xc2: {  	_ =	task.clear_ibuf [dreg:s7], $0x2FFFF;
	_ =	strace $0x9FFFFFFF  }
0xc3: {  	(tm) =	ssettm $0x7FFFFFFF  }
tec
execute0_lowered:
.L_overlay_start_1:
0x0: {  	(tag) =	ssettag $0x1  }
0x1: {  	s7 =	rddreg [dreg:$0x0]  }
0x2: {  	s1 =	srdreg.scid;
	s6 =	rddreg [dreg:$0x1]  }
0x3: {  	s0 =	stileid.u32;
	s3 =	rddreg [dreg:$0x2]  }
0x4: {  	s5 =	simm.s32 $0x0;
	s12 =	simm.s32 $0x4000;
	s13 =	simm.s32 $0x1  }
0x5: {  	s16 =	simm.s32 $0x20;
	s17 =	simm.s32 $0x10;
	s18 =	simm.s32 $0x0  }
0x6: {  	s2 =	sand.u32 $0x1, s1;
	s8 =	smul.u32 $0x500, s0;
	s1 =	rddreg [dreg:$0x3]  }
0x7: {  	[smem:$0x7FF] =	sst s5;
	s9 =	smul.u32 $0xA00, s0;
	s11 =	sshll.u32 s0, $0xB  }
0x8: {  	s14 =	sshll.u32 s0, $0x6;
	s4 =	sshll.u32 s2, $0x7;
	_ =	strace $0x80000047  }
0x9: {  	s31 =	ssub.s32 $0x2, s2;
	s7 =	sadd.s32 s7, s11;
	s11 =	simm.s32 $0x50  }
0xa: {  	s14 =	sor.u32 $0x1C01, s14;
	s8 =	sor.u32 s4, s8;
	s10 =	sshrl.u32 s31, $0x1  }
0xb: {  	s9 =	sshrl.u32 s9, $0x2;
	s8 =	sshrl.u32 s8, $0x3;
	s10 =	ssub.s32 s31, s10  }
0xc: {  	s8 =	sadd.s32 s8, s6;
	s6 =	sadd.s32 s9, s3;
	s9 =	smax.u32 s10, $0x1  }
0xd: {  	v0 =	vimm.f32 $1.000000000e+00;
	v1 =	vimm.f32 $0.0e+00;
	s10 =	simm.s32 $0x4080;
	s8 =	sadd.s32 $0x2800, s8;
	s15 =	sshrl.u32 s6, $0x3  }
.LBB2_1:
0xe: {  	[tilespmem:$0x4000] =	vst v0  }
0xf: {  	[tilespmem:$0x4010] =	vst v0  }
0x10: {  	[tilespmem:$0x4020] =	vst v0  }
0x11: {  	[tilespmem:$0x4030] =	vst v0  }
0x12: {  	[tilespmem:$0x4040] =	vst v0  }
0x13: {  	[tilespmem:$0x4080] =	vst v1  }
0x14: {  	[tilespmem:$0x4090] =	vst v1  }
0x15: {  	[tilespmem:$0x40A0] =	vst v1  }
0x16: {  	[tilespmem:$0x40B0] =	vst v1  }
0x17: {  	[tilespmem:$0x40C0] =	vst v1  }
0x18: {  	[tilespmem:$0x40D0] =	vst v1  }
0x19: {  	[tilespmem:$0x40E0] =	vst v1  }
0x1a: {  	[tilespmem:$0x40F0] =	vst v1  }
0x1b: {  	[tilespmem:$0x4100] =	vst v1  }
0x1c: {  	[tilespmem:$0x4110] =	vst v1  }
0x1d: {  	[tilespmem:$0x4120] =	vst v1  }
0x1e: {  	[tilespmem:$0x4130] =	vst v1  }
0x1f: {  	[tilespmem:$0x4140] =	vst v1  }
0x20: {  	[tilespmem:$0x4150] =	vst v1  }
0x21: {  	[tilespmem:$0x4160] =	vst v1  }
0x22: {  	[tilespmem:$0x4170] =	vst v1  }
0x23: {  	[tilespmem:$0x4180] =	vst v1  }
0x24: {  	[tilespmem:$0x4190] =	vst v1  }
0x25: {  	[tilespmem:$0x41A0] =	vst v1  }
0x26: {  	[tilespmem:$0x41B0] =	vst v1  }
0x27: {  	[tilespmem:$0x41C0] =	vst v1  }
0x28: {  	[tilespmem:$0x41D0] =	vst v1  }
0x29: {  	[tilespmem:$0x41E0] =	vst v1  }
0x2a: {  	[tilespmem:$0x41F0] =	vst v1  }
0x2b: {  	[tilespmem:$0x4200] =	vst v1  }
0x2c: {  	[tilespmem:$0x4210] =	vst v1  }
0x2d: {  	[tilespmem:$0x4220] =	vst v1  }
0x2e: {  	[tilespmem:$0x4230] =	vst v1  }
0x2f: {  	[tilespmem:$0x4240] =	vst v1  }
0x30: {  	[tilespmem:$0x4250] =	vst v1  }
0x31: {  	[tilespmem:$0x4260] =	vst v1  }
0x32: {  	[tilespmem:$0x4270] =	vst v1  }
0x33: {  	[tilespmem:$0x4280] =	vst v1  }
0x34: {  	[tilespmem:$0x4290] =	vst v1  }
0x35: {  	[tilespmem:$0x42A0] =	vst v1  }
0x36: {  	[tilespmem:$0x42B0] =	vst v1  }
0x37: {  	[tilespmem:$0x42C0] =	vst v1  }
0x38: {  	[tilespmem:$0x42D0] =	vst v1  }
0x39: {  	[tilespmem:$0x42E0] =	vst v1  }
0x3a: {  	[tilespmem:$0x42F0] =	vst v1  }
0x3b: {  	[spmem:s6] =	stream.linear.scatter [tilespmem:s10], [sflag:$0x1], $0x280, $0x38;
	[tilespmem:$0x4580] =	vst v63  }
0x3c: {  	_ =	swait.ge [sflag:s13], $0x280  }
0x3d: {  	[sflag:s13] =	ssyncset.done $0x0  }
0x3e: {  	[sflag:s13] =	ssyncadd.s32 $0xFFFFFD80  }
0x3f: {  	[tilespmem:s5], [sflag:$0x1] =	stream.linear.gather [hbm4b:s7+s5], $0x3E80, $0x38;
	[tilespmem:$0x4580] =	vst v63  }
0x40: {  	_ =	swait.ge [sflag:s13], $0x3E80  }
0x41: {  	[sflag:s13] =	ssyncset.done $0x0  }
0x42: {  	[sflag:s13] =	ssyncadd.s32 $0xFFFFC180  }
0x43: {  	s19 =	smov.u32 s4;
	s20 =	simm.s32 $0x1;
	[bflag:$0x0] =	sbarrier.arrive $0xFFFF  }
.LBB2_2:
0x44: {  	s21 =	sxor.u32 s20, s2  }
0x45: {  	p0 =	sne.s32 s21, $0x3F  }
.Ltmp0:
0x46: {  	_ = 	snop;
	(pc) =	sbr.rel @p0 .LBB2_2-.Ltmp0, $4  }
0x47: {  	[spmem:s3] =	stream.indirect.scatter.add.f32 [tilespmem:s12], [sflag:$0x1], $0x1, s19, s11, $0xb8;
	[tilespmem:$0x4580] =	vst v63  }
0x48: {  	_ =	swait.ge [sflag:s13], $0x50  }
0x49: {  	[sflag:s13] =	ssyncset.done $0x0  }
0x4a: {  	s20 =	sadd.s32 $0x1, s20;
	s19 =	sadd.s32 $0x100, s19;
	[sflag:s13] =	ssyncadd.s32 $0xFFFFFFB0  }
0x4b: {  	s18 =	sadd.s32 $0x1, s18  }
0x4c: {  	p0 =	sne.s32 s18, s9  }
.Ltmp1:
0x4d: {  	[bflag:$0x0] =	sbarrier.arrive $0xFFFF;
	(pc) =	sbr.rel @p0 .LBB2_1-.Ltmp1, $4  }
0x4e: {  	[hbm:s8@s16], [sflag:s14] =	dma.strided [spmem:s15@s17], $0x50, s13, $0x10   }
0x4f: {  	_ =	swait.ge [sflag:s13], $0x50  }
0x50: {  	[sflag:s13] =	ssyncset.done $0x0  }
0x51: {  	[sflag:s13] =	ssyncadd.s32 $0xFFFFFFB0  }
0x52: {  	_ =	sfence.sel $0x180000  }
0x53: {  	[bflag:$0x0] =	sbarrier.arrive $0xFFFF  }
0x54: {  	p0 =	sne.s32 s0, $0x0;
	_ =	strace $0x90000047  }
0x55: {  	s0 =	sadd.s32 @!p0 $0x100000, s1;
	[bflag:$0x2] =	sbarrier.arrive $0xFFFF  }
0x56: {  	[sflag:s0] =	ssyncadd.tile.s32 @!p0 $0x1;
	_ =	shalt  }
.Lfunc_end2:
_tile_overlayer_lowered:
.L_overlay_start_2:
0x57: {  	(tag) =	ssettag $0x2  }
0x58: {  	s0 =	rddreg [dreg:$0x0];
	s2 =	stileid.u32  }
0x59: {  	s1 =	rddreg [dreg:$0x1];
	p0 =	sne.s32 s2, $0x0  }
0x5a: {  	s3 =	rddreg [dreg:$0x2];
	[bflag:$0x3] =	sbarrier.arrive $0xFFFF;
	s2 =	simm.s32 @!p0 $0x1C01  }
0x5b: {  	[timem:s3], [sflag:s2] =	dma.local @!p0 [hbm:s0], s1  }
0x5c: {  	s0 =	simm.s32 @!p0 $0x1  }
0x5d: {  	_ =	swait.ge @!p0 [sflag:s0], s1  }
0x5e: {  	s1 =	ssub.s32 @!p0 $0x0, s1;
	[sflag:s0] =	ssyncset.done @!p0 $0x0  }
0x5f: {  	[sflag:s0] =	ssyncadd.s32 @!p0 s1  }
0x60: {  	[bflag:$0x3] =	sbarrier.arrive $0xFFFF  }
0x61: {  	_ =	shalt  }

// kernel: kernel.9.cloned.1.call-start
scs
__scs_entry_jumppad:
0x0: {  	(pc) =	sbr.rel $0x88, $3  }
0x1: {  	(tag) =	ssettag $0x0;
	lr =	simm.s32 $0x1  }
0x2: {  	[smem:$0x3F9B] =	sst lr;
	_ =	strace $0xD0000000  }
0x3: {  	_ = 	snop  }
0x4: {  	_ = 	snop  }
0x5: {  	_ = 	snop  }
0x6: {  	_ = 	snop  }
0x7: {  	_ = 	snop  }
__scs_overlays_trampoline_lowered:
0x8: {  	[smem:$0x3FAA] =	sst s0  }
0x9: {  	[smem:$0x3FAB] =	sst s1  }
0xa: {  	[smem:$0x3FAC] =	sst s2  }
0xb: {  	[smem:$0x3FAD] =	sst s3  }
0xc: {  	[smem:$0x3FAE] =	sst s4  }
0xd: {  	[smem:$0x3FAF] =	sst s5  }
0xe: {  	[smem:$0x3FB0] =	sst s6  }
0xf: {  	[smem:$0x3FB1] =	sst s7  }
0x10: {  	[smem:$0x3FB2] =	sst s8  }
0x11: {  	[smem:$0x3FB3] =	sst s9;
	s0 =	simm.s32 @!p0 $0x0  }
0x12: {  	s1 =	sld [smem:$0x3F99];
	s0 =	simm.s32 @p0 $0x1  }
0x13: {  	[smem:$0x3FB4] =	sst s0;
	s0 =	simm.s32 @!p1 $0x0  }
0x14: {  	s2 =	sld [smem:$0x3F98];
	s0 =	simm.s32 @p1 $0x1  }
0x15: {  	[smem:$0x3FB5] =	sst s0;
	s0 =	simm.s32 @!p2 $0x0  }
0x16: {  	s3 =	sld [smem:$0x3FDB];
	s0 =	simm.s32 @p2 $0x1  }
0x17: {  	s4 =	simm.s32 $0x1BF5;
	[smem:$0x3FB7] =	sst s0  }
0x18: {  	s0 =	sld [smem:$0x3F9A];
	_ =	swait.ge [sflag:s4], $0x0  }
0x19: {  	s7 =	sld [smem:$0x3F9B]  }
0x1a: {  	s8 =	sadd.s32 $0xFFFFE003, lr  }
0x1b: {  	s9 =	sadd.s32 $0xFFFFFEF7, lr;
	s5 =	simm.s32 $0xFFFFFFFF;
	p2 =	slt.u32 s8, $0xFFFFF086  }
0x1c: {  	p1 =	slt.u32 s9, $0xF7A;
	s5 =	simm.s32 @!p2 $0x0  }
0x1d: {  	s5 =	simm.s32 @p1 $0x1;
	p0 =	seq.s32 s7, s2  }
0x1e: {  	s7 =	smul.u32 @!p0 $0xF7A, s2;
	p2 =	seq.s32 @!p0 s5, $0x0  }
0x1f: {  	s9 =	smul.u32 $0xF7A, s1;
	s8 =	simm.s32 @!p0 $0x1BF5;
	p2 =	por !p2, p0  }
0x20: {  	[sflag:s8] =	ssyncset.s32 @!p0 $0xFFFFF086;
	s6 =	sadd.s32 @!p0 s3, s7;
	s7 =	simm.s32 @!p0 $0x108  }
0x21: {  	s3 =	sadd.s32 s3, s9;
	s6 =	sadd.s32 @!p0 $0x88, s6;
	s7 =	simm.s32 @p2 $0x1082  }
0x22: {  	[simem:s7], [sflag:s8] =	dma.local @!p0 [hbm:s6], $0xF7A  }
0x23: {  	s9 =	sor.u32 $0xD0000000, s2;
	s6 =	simm.s32 $0x108;
	_ =	swait.ge @!p0 [sflag:s8], $0x0  }
0x24: {  	s3 =	sadd.s32 $0x88, s3;
	s6 =	simm.s32 @!p1 $0x1082;
	[sflag:s4] =	ssyncset.s32 $0xFFFFF086  }
0x25: {  	[simem:s6], [sflag:s4] =	dma.local [hbm:s3], $0xF7A  }
0x26: {  	[smem:$0x3F9B] =	sst s1;
	(tag) =	ssettag s2;
	_ =	strace s9  }
0x27: {  	s1 =	sld [smem:$0x3FAB]  }
0x28: {  	s2 =	sld [smem:$0x3FAC]  }
0x29: {  	s4 =	sld [smem:$0x3FAE]  }
0x2a: {  	p0 =	seq.s32 s5, $0x0;
	s5 =	sld [smem:$0x3FAF]  }
0x2b: {  	s6 =	sld [smem:$0x3FB0]  }
0x2c: {  	s7 =	sld [smem:$0x3FB1]  }
0x2d: {  	s3 =	simm.s32 $0x108;
	s8 =	sld [smem:$0x3FB2]  }
0x2e: {  	s3 =	simm.s32 @!p0 $0x1082;
	s9 =	sld [smem:$0x3FB3]  }
0x2f: {  	lr =	sadd.s32 s0, s3;
	s0 =	sld [smem:$0x3FAA]  }
0x30: {  	s3 =	sld [smem:$0x3FAD]  }
0x31: {  	[smem:$0x3FB6] =	sst s10  }
0x32: {  	s10 =	sld [smem:$0x3FB4];
	_ =	sdelay $0x3  }
0x33: {  	p0 =	seq.s32 s10, $0x1;
	s10 =	sld [smem:$0x3FB6];
	_ =	sdelay $0x3  }
0x34: {  	[smem:$0x3FB6] =	sst s10  }
0x35: {  	s10 =	sld [smem:$0x3FB5];
	_ =	sdelay $0x3  }
0x36: {  	p1 =	seq.s32 s10, $0x1;
	s10 =	sld [smem:$0x3FB6];
	_ =	sdelay $0x3  }
0x37: {  	[smem:$0x3FB6] =	sst s10  }
0x38: {  	s10 =	sld [smem:$0x3FB7]  }
0x39: {  	_ = 	snop;
	(pc) =	sbr.ind lr, $3  }
0x3a: {  	_ = 	snop  }
0x3b: {  	_ = 	snop  }
0x3c: {  	p2 =	seq.s32 s10, $0x1;
	s10 =	sld [smem:$0x3FB6]  }
0x3d: {  	_ =	shalt  }
0x3e: {  	_ =	shalt  }
0x3f: {  	_ =	shalt  }
0x40: {  	_ =	shalt  }
0x41: {  	_ =	shalt  }
0x42: {  	_ =	shalt  }
0x43: {  	_ =	shalt  }
0x44: {  	_ =	shalt  }
0x45: {  	_ =	shalt  }
0x46: {  	_ =	shalt  }
0x47: {  	_ =	shalt  }
0x48: {  	_ =	shalt  }
0x49: {  	_ =	shalt  }
0x4a: {  	_ =	shalt  }
0x4b: {  	_ =	shalt  }
0x4c: {  	_ =	shalt  }
0x4d: {  	_ =	shalt  }
0x4e: {  	_ =	shalt  }
0x4f: {  	_ =	shalt  }
0x50: {  	_ =	shalt  }
0x51: {  	_ =	shalt  }
0x52: {  	_ =	shalt  }
0x53: {  	_ =	shalt  }
0x54: {  	_ =	shalt  }
0x55: {  	_ =	shalt  }
0x56: {  	_ =	shalt  }
0x57: {  	_ =	shalt  }
0x58: {  	_ =	shalt  }
0x59: {  	_ =	shalt  }
0x5a: {  	_ =	shalt  }
0x5b: {  	_ =	shalt  }
0x5c: {  	_ =	shalt  }
0x5d: {  	_ =	shalt  }
0x5e: {  	_ =	shalt  }
0x5f: {  	_ =	shalt  }
0x60: {  	_ =	shalt  }
0x61: {  	_ =	shalt  }
0x62: {  	_ =	shalt  }
0x63: {  	_ =	shalt  }
0x64: {  	_ =	shalt  }
0x65: {  	_ =	shalt  }
0x66: {  	_ =	shalt  }
0x67: {  	_ =	shalt  }
0x68: {  	_ =	shalt  }
0x69: {  	_ =	shalt  }
0x6a: {  	_ =	shalt  }
0x6b: {  	_ =	shalt  }
0x6c: {  	_ =	shalt  }
0x6d: {  	_ =	shalt  }
0x6e: {  	_ =	shalt  }
0x6f: {  	_ =	shalt  }
0x70: {  	_ =	shalt  }
0x71: {  	_ =	shalt  }
0x72: {  	_ =	shalt  }
0x73: {  	_ =	shalt  }
0x74: {  	_ =	shalt  }
0x75: {  	_ =	shalt  }
0x76: {  	_ =	shalt  }
0x77: {  	_ =	shalt  }
0x78: {  	_ =	shalt  }
0x79: {  	_ =	shalt  }
0x7a: {  	_ =	shalt  }
0x7b: {  	_ =	shalt  }
0x7c: {  	_ =	shalt  }
0x7d: {  	_ =	shalt  }
0x7e: {  	_ =	shalt  }
0x7f: {  	_ =	shalt  }
0x80: {  	_ =	shalt  }
0x81: {  	_ =	shalt  }
0x82: {  	_ =	shalt  }
0x83: {  	_ =	shalt  }
0x84: {  	_ =	shalt  }
0x85: {  	_ =	shalt  }
0x86: {  	_ =	shalt  }
0x87: {  	_ =	shalt  }
.Lfunc_end0:
.L_simem_size_0:
called_computation.1_lowered:
.L_overlay_start_0:
0x88: {  	s2 =	sld [smem:$0x3FD9]  }
0x89: {  	s3 =	sld [smem:$0x3FFE];
	_ =	sdelay $0x1  }
0x8a: {  	s1 =	srdreg.scid  }
0x8b: {  	s0 =	sand.u32 $0x1, s1  }
0x8c: {  	s17 =	sshll.u32 s0, $0xA;
	s2 =	sadd.s32 s3, s2  }
0x8d: {  	s2 =	sadd.s32 s2, s17  }
0x8e: {  	[smem:$0x3FC2] =	sst s2  }
0x8f: {  	_ = 	snop  }
0x90: {  	s2 =	sld [smem:$0x3FD0];
	(tm) =	ssettm $0x1  }
0x91: {  	s18 =	sld [smem:$0x3FFB];
	_ =	sdelay $0x3  }
0x92: {  	_ =	strace s18  }
0x93: {  	s3 =	sld [smem:$0x3FFC];
	_ =	sdelay $0x3  }
0x94: {  	_ =	strace s3  }
0x95: {  	s3 =	sld [smem:$0x3FFD];
	_ =	sdelay $0x3  }
0x96: {  	_ =	strace s3  }
0x97: {  	_ =	strace $0x8FFFFFFF  }
0x98: {  	s19 =	sld [smem:$0x3FDB];
	_ =	sdelay $0x1  }
0x99: {  	s4 =	simm.s32 $_scs_section_size  }
0x9a: {  	s5 =	simm.s32 $_size__tile_overlayer_lowered;
	s6 =	simm.s32 $_tile_overlayer_lowered  }
0x9b: {  	s22 =	simm.s32 $0x1BFF;
	s21 =	sshll.u32 s6, $0x1;
	s3 =	sadd.s32 s4, s19  }
0x9c: {  	s7 =	simm.s32 $0x0;
	s20 =	sshll.u32 s5, $0x1;
	s5 =	sadd.s32 s21, s3  }
0x9d: {  	[timem:s7], [sflag:s22] =	dma.local [hbm:s5], s20  }
0x9e: {  	_ =	swait.ge [sflag:s22], s20  }
0x9f: {  	s4 =	ssub.s32 $0x0, s20;
	[sflag:s22] =	ssyncset.done $0x0  }
0xa0: {  	[sflag:s22] =	ssyncadd.s32 s4;
	_ =	sdelay $0x1  }
0xa1: {  	s23 =	simm.s32 $0x1B8B  }
0xa2: {  	_ =	swait.ge [sflag:s23], $0x1  }
0xa3: {  	[sflag:s23] =	ssyncset.done $0x0  }
0xa4: {  	s25 =	simm.s32 $0x1B8E;
	s24 =	sld [smem:$0x3FFE];
	[sflag:s23] =	ssyncadd.s32 $0xFFFFFFFF  }
0xa5: {  	s26 =	simm.s32 $execute0_lowered;
	[smem:$0x3FD2] =	sst s25  }
0xa6: {  	s5 =	sshll.u32 s26, $0x1;
	_ =	strace $0x80000049;
	[dreg:$0x1] =	wrdreg $0xFFFFFFFF  }
0xa7: {  	s28 =	simm.s32 $_size_execute0_lowered;
	s3 =	sadd.s32 s3, s5;
	[dreg:$0x0] =	wrdreg $0x0  }
0xa8: {  	s5 =	sshll.u32 s28, $0x1;
	[dreg:$0x2] =	wrdreg s3  }
0xa9: {  	[dreg:$0x3] =	wrdreg s5  }
0xaa: {  	[dreg:$0x4] =	wrdreg $0xC0  }
0xab: {  	_ =	task [dreg:s7], $0x5FFFF  }
0xac: {  	[dreg:$0x1] =	wrdreg $0xFFFFFFFF  }
0xad: {  	[dreg:$0x0] =	wrdreg $0x60  }
0xae: {  	[dreg:$0x2] =	wrdreg s2  }
0xaf: {  	[dreg:$0x3] =	wrdreg s24  }
0xb0: {  	[dreg:$0x4] =	wrdreg $0x70000  }
0xb1: {  	[dreg:$0x5] =	wrdreg $0x9  }
0xb2: {  	_ =	task.clear_ibuf [dreg:s7], $0x6FFFF;
	_ =	strace $0x90000049  }
0xb3: {  	s29 =	simm.s32 $0x9;
	_ =	strace $0x8000004B  }
0xb4: {  	_ =	swait.ge [sflag:s29], $0x1  }
0xb5: {  	[sflag:s29] =	ssyncadd.s32 $0xFFFFFFFF  }
0xb6: {  	_ =	strace $0x9000004B  }
0xb7: {  	_ =	sfence  }
0xb8: {  	s30 =	sld [smem:$0x0];
	_ =	sdelay $0x2  }
0xb9: {  	s31 =	sshll.u32 s1, $0xD;
	s1 =	sshrl.u32 s1, $0x2  }
0xba: {  	s3 =	sand.u32 $0x4000, s31;
	s1 =	sadd.s32 s1, s30  }
0xbb: {  	s0 =	sor.u32 s3, s0;
	s1 =	sshll.u32 s1, $0x11  }
0xbc: {  	s0 =	sor.u32 s1, s0  }
0xbd: {  	s0 =	sadd.s32 $0x8F2B, s0  }
0xbe: {  	[sflag:s0] =	ssyncadd.remote.s32 $0x1  }
0xbf: {  	_ =	sfence.sel $0xFFFF  }
0xc0: {  	[dreg:$0x0] =	wrdreg $0xFFFFFFFF;
	(pc) =	sbr.abs _section_cstart, $3  }
0xc1: {  	[dreg:$0x1] =	wrdreg $0xFFFFFFFF  }
0xc2: {  	_ =	task.clear_ibuf [dreg:s7], $0x2FFFF;
	_ =	strace $0x9FFFFFFF  }
0xc3: {  	(tm) =	ssettm $0x7FFFFFFF  }
tec
execute0_lowered:
.L_overlay_start_1:
0x0: {  	(tag) =	ssettag $0x1  }
0x1: {  	s1 =	rddreg [dreg:$0x0]  }
0x2: {  	s0 =	rddreg [dreg:$0x1]  }
0x3: {  	s2 =	rddreg [dreg:$0x2];
	s3 =	simm.s32 $0x0  }
0x4: {  	s4 =	srdreg.scid;
	s14 =	stileid.u32;
	s18 =	simm.s32 $0x3  }
0x5: {  	s19 =	simm.s32 $0x1000;
	s20 =	simm.s32 $0x50;
	s21 =	simm.s32 $0x2000  }
0x6: {  	s22 =	simm.s32 $0x1;
	s23 =	simm.s32 $0x80;
	s28 =	simm.s32 $0x1080  }
0x7: {  	s29 =	simm.s32 $0x1C00;
	s30 =	simm.s32 $0x0;
	[smem:$0x7FF] =	sst s3  }
0x8: {  	s5 =	sadd.s32 $0x67200, s0;
	s6 =	sadd.s32 $0xD200, s0;
	s10 =	smul.u32 $0x50000, s14  }
0x9: {  	s7 =	sadd.s32 $0x3200, s0;
	s4 =	sand.u32 $0x1, s4;
	s9 =	smul.u32 $0x2800, s14  }
0xa: {  	s8 =	sadd.s32 $0x8F200, s0;
	s12 =	smul.u32 $0x14000, s14;
	s24 =	ssub.s32 $0x2, s4  }
0xb: {  	_ =	strace $0x8000004A;
	p0 =	seq.s32 s4, $0x1;
	s11 =	sshrl.u32 s24, $0x1  }
0xc: {  	s10 =	sshrl.u32 s10, $0x2;
	s26 =	sadd.s32 s1, s9;
	s31 =	sshrl.u32 s12, $0x3  }
.Ltmp0:
0xd: {  	s0 =	ssub.s32 s24, s11;
	s25 =	sadd.s32 s10, s2;
	(pc) =	sbr.rel .LBB2_1-.Ltmp0, $4  }
0xe: {  	[dreg:$0x4] =	wrdreg s26;
	s11 =	smul.u32 $0x5000, s14;
	s12 =	sadd.s32 s5, s31  }
0xf: {  	s13 =	sadd.s32 $0x28000, s31;
	s14 =	sshll.u32 s14, $0x6;
	s24 =	simm.s32 $0x4800  }
0x10: {  	s26 =	simm.s32 $0x100;
	[dreg:$0x5] =	wrdreg s12;
	s15 =	smax.u32 s0, $0x1  }
0x11: {  	s16 =	sor.u32 $0x1C03, s14;
	s17 =	sshrl.u32 s25, $0x3;
	s25 =	simm.s32 $0x2  }
.LBB2_12:
0x12: {  	s30 =	sadd.s32 $0x1, s30  }
0x13: {  	p1 =	sne.s32 s30, s15  }
.Ltmp1:
0x14: {  	s0 =	sadd.s32 s8, s0;
	[bflag:$0x0] =	sbarrier.arrive $0xFFFF;
	(pc) =	sbr.rel @!p1 .LBB2_13-.Ltmp1, $4  }
0x15: {  	[hbm:s0], [sflag:s31] =	dma.local [spmem:s17], $0x2800  }
0x16: {  	_ =	swait.ge [sflag:s18], $0x2800  }
0x17: {  	[sflag:s18] =	ssyncset.done $0x0  }
0x18: {  	[sflag:s18] =	ssyncadd.s32 $0xFFFFD800  }
.LBB2_1:
.Ltmp2:
0x19: {  	(pc) =	sbr.rel @!p0 .LBB2_2-.Ltmp2, $1  }
0x1a: {  	_ =	sdelay $0x3  }
0x1b: {  	s0 =	rddreg [dreg:$0x5]  }
0x1c: {  	[spmem:s17], [sflag:s16] =	dma.local [hbm:s0], $0x2800  }
0x1d: {  	_ =	swait.ge [sflag:s18], $0x2800  }
0x1e: {  	[sflag:s18] =	ssyncset.done $0x0  }
0x1f: {  	[sflag:s18] =	ssyncadd.s32 $0xFFFFD800  }
0x20: {  	s0 =	simm.s32 $0x0;
	[bflag:$0x0] =	sbarrier.arrive $0xFFFF  }
.LBB2_8:
0x21: {  	s4 =	sshll.u32 s0, $0xC  }
0x22: {  	s4 =	sadd.s32 s11, s4  }
0x23: {  	s4 =	sshrl.u32 s4, $0x3  }
0x24: {  	s10 =	sadd.s32 s6, s4  }
0x25: {  	[tilespmem:s3], [sflag:$0x3] =	stream.linear.gather [hbm4b:s10+s3], $0xC80, $0x38;
	[tilespmem:$0x1B000] =	vst v63  }
0x26: {  	_ =	swait.ge [sflag:s18], $0xC80  }
0x27: {  	[sflag:s18] =	ssyncset.done $0x0  }
0x28: {  	s4 =	sadd.s32 s7, s4;
	[sflag:s18] =	ssyncadd.s32 $0xFFFFF380  }
0x29: {  	[tilespmem:s19], [sflag:$0x3] =	stream.linear.gather [hbm4b:s4+s3], $0xC80, $0x38;
	[tilespmem:$0x1B000] =	vst v63  }
0x2a: {  	_ =	swait.ge [sflag:s18], $0xC80  }
0x2b: {  	[sflag:s18] =	ssyncset.done $0x0  }
0x2c: {  	[sflag:s18] =	ssyncadd.s32 $0xFFFFF380  }
0x2d: {  	[tilespmem:s21], [sflag:$0x1] =	stream.indirect.gather [hbm4b:s5+s20], $0x80, s3, s20, $0xb8;
	[tilespmem:$0x1B000] =	vst v63  }
0x2e: {  	_ =	swait.ge [sflag:s22], $0x2800  }
0x2f: {  	[sflag:s22] =	ssyncset.done $0x0  }
0x30: {  	[sflag:s22] =	ssyncadd.s32 $0xFFFFD800  }
0x31: {  	[tilespmem:s24], [sflag:$0x1] =	stream.indirect.gather [hbm4b:s5+s20], $0x80, s23, s20, $0xb8;
	[tilespmem:$0x1B000] =	vst v63  }
0x32: {  	_ = 	snop  }
0x33: {  	[spmem:s2] =	stream.indirect.scatter.add.f32 [tilespmem:s21], [sflag:$0x2], $0x80, s19, s20, $0xb8;
	[tilespmem:$0x1B000] =	vst v63  }
0x34: {  	_ =	swait.ge [sflag:s22], $0x2800  }
0x35: {  	[sflag:s22] =	ssyncset.done $0x0  }
0x36: {  	[sflag:s22] =	ssyncadd.s32 $0xFFFFD800  }
0x37: {  	_ =	swait.ge [sflag:s25], $0x2800  }
0x38: {  	[sflag:s25] =	ssyncset.done $0x0  }
0x39: {  	[sflag:s25] =	ssyncadd.s32 $0xFFFFD800  }
0x3a: {  	[tilespmem:s21], [sflag:$0x1] =	stream.indirect.gather [hbm4b:s5+s20], $0x80, s26, s20, $0xb8;
	[tilespmem:$0x1B000] =	vst v63  }
0x3b: {  	_ = 	snop  }
0x3c: {  	[spmem:s2] =	stream.indirect.scatter.add.f32 [tilespmem:s24], [sflag:$0x2], $0x80, s28, s20, $0xb8;
	[tilespmem:$0x1B000] =	vst v63  }
0x3d: {  	_ =	swait.ge [sflag:s22], $0x2800  }
0x3e: {  	[sflag:s22] =	ssyncset.done $0x0  }
0x3f: {  	[sflag:s22] =	ssyncadd.s32 $0xFFFFD800  }
0x40: {  	_ =	swait.ge [sflag:s25], $0x2800  }
0x41: {  	[sflag:s25] =	ssyncset.done $0x0  }
0x42: {  	s10 =	simm.s32 $0x180;
	[sflag:s25] =	ssyncadd.s32 $0xFFFFD800  }
0x43: {  	[tilespmem:s24], [sflag:$0x1] =	stream.indirect.gather [hbm4b:s5+s20], $0x80, s10, s20, $0xb8;
	[tilespmem:$0x1B000] =	vst v63  }
0x44: {  	s12 =	simm.s32 $0x1100  }
0x45: {  	[spmem:s2] =	stream.indirect.scatter.add.f32 [tilespmem:s21], [sflag:$0x2], $0x80, s12, s20, $0xb8;
	[tilespmem:$0x1B000] =	vst v63  }
0x46: {  	_ =	swait.ge [sflag:s22], $0x2800  }
0x47: {  	[sflag:s22] =	ssyncset.done $0x0  }
0x48: {  	[sflag:s22] =	ssyncadd.s32 $0xFFFFD800  }
0x49: {  	_ =	swait.ge [sflag:s25], $0x2800  }
0x4a: {  	s31 =	simm.s32 $0x200;
	[sflag:s25] =	ssyncset.done $0x0  }
0x4b: {  	s4 =	simm.s32 $0xFFFFD800;
	s10 =	simm.s32 $0x1180;
	[sflag:s25] =	ssyncadd.s32 $0xFFFFD800  }
0x4c: {  	[tilespmem:s21], [sflag:$0x1] =	stream.indirect.gather [hbm4b:s5+s20], $0x80, s31, s20, $0xb8;
	[tilespmem:$0x1B000] =	vst v63  }
.LBB2_9:
0x4d: {  	[spmem:s2] =	stream.indirect.scatter.add.f32 [tilespmem:s24], [sflag:$0x2], $0x80, s10, s20, $0xb8;
	[tilespmem:$0x1B000] =	vst v63  }
0x4e: {  	s10 =	smov.u32 s4  }
0x4f: {  	p1 =	sne.s32 s4, $0xFFFFFC00;
	s4 =	sadd.s32 $0x400, s4;
	_ =	swait.ge [sflag:s22], $0x2800  }
0x50: {  	[sflag:s22] =	ssyncset.done $0x0  }
0x51: {  	[sflag:s22] =	ssyncadd.s32 $0xFFFFD800  }
0x52: {  	_ =	swait.ge [sflag:s25], $0x2800  }
0x53: {  	s10 =	sshra.s32 s10, $0x2;
	[sflag:s25] =	ssyncset.done $0x0  }
0x54: {  	s12 =	sadd.s32 $0xC80, s10;
	[sflag:s25] =	ssyncadd.s32 $0xFFFFD800  }
0x55: {  	[tilespmem:s24], [sflag:$0x1] =	stream.indirect.gather [hbm4b:s5+s20], $0x80, s12, s20, $0xb8;
	[tilespmem:$0x1B000] =	vst v63  }
0x56: {  	s12 =	sadd.s32 $0x1C00, s10  }
0x57: {  	[spmem:s2] =	stream.indirect.scatter.add.f32 [tilespmem:s21], [sflag:$0x2], $0x80, s12, s20, $0xb8;
	[tilespmem:$0x1B000] =	vst v63  }
0x58: {  	_ =	swait.ge [sflag:s22], $0x2800  }
0x59: {  	[sflag:s22] =	ssyncset.done $0x0  }
0x5a: {  	[sflag:s22] =	ssyncadd.s32 $0xFFFFD800  }
.Ltmp3:
0x5b: {  	_ =	swait.ge [sflag:s25], $0x2800;
	(pc) =	sbr.rel @p1 .LBB2_9-.Ltmp3, $4  }
0x5c: {  	[sflag:s25] =	ssyncset.done $0x0  }
0x5d: {  	s12 =	sadd.s32 $0xD00, s10;
	[sflag:s25] =	ssyncadd.s32 $0xFFFFD800  }
0x5e: {  	[tilespmem:s21], [sflag:$0x1] =	stream.indirect.gather [hbm4b:s5+s20], $0x80, s12, s20, $0xb8;
	[tilespmem:$0x1B000] =	vst v63  }
0x5f: {  	s10 =	sadd.s32 $0x1C80, s10  }
0x60: {  	[spmem:s2] =	stream.indirect.scatter.add.f32 [tilespmem:s24], [sflag:$0x2], $0x80, s10, s20, $0xb8;
	[tilespmem:$0x1B000] =	vst v63  }
0x61: {  	_ =	swait.ge [sflag:s22], $0x2800  }
0x62: {  	[sflag:s22] =	ssyncset.done $0x0  }
0x63: {  	s0 =	sadd.s32 $0x1, s0;
	[sflag:s22] =	ssyncadd.s32 $0xFFFFD800  }
0x64: {  	[spmem:s2] =	stream.indirect.scatter.add.f32 [tilespmem:s21], [sflag:$0x2], $0x80, s29, s20, $0xb8;
	[tilespmem:$0x1B000] =	vst v63  }
0x65: {  	p1 =	sne.s32 s0, $0x5;
	_ =	swait.ge [sflag:s25], $0x2800  }
.Ltmp4:
0x66: {  	[sflag:s25] =	ssyncset.done $0x0;
	(pc) =	sbr.rel @p1 .LBB2_8-.Ltmp4, $4  }
0x67: {  	[sflag:s25] =	ssyncadd.s32 $0xFFFFD800  }
0x68: {  	_ =	swait.ge [sflag:s25], $0x2800  }
0x69: {  	[sflag:s25] =	ssyncset.done $0x0  }
0x6a: {  	[sflag:s25] =	ssyncadd.s32 $0xFFFFD800  }
.Ltmp5:
0x6b: {  	(pc) =	sbr.rel .LBB2_12-.Ltmp5, $2  }
0x6c: {  	_ =	sdelay $0x2  }
0x6d: {  	s0 =	smov.u32 s13;
	s31 =	smov.u32 s16  }
.LBB2_2:
0x6e: {  	s31 =	sor.u32 $0x1C03, s14;
	s0 =	rddreg [dreg:$0x4]  }
0x6f: {  	[spmem:s17], [sflag:s31] =	dma.local [hbm:s0], $0x2800  }
0x70: {  	_ =	swait.ge [sflag:s18], $0x2800  }
0x71: {  	[sflag:s18] =	ssyncset.done $0x0  }
0x72: {  	[sflag:s18] =	ssyncadd.s32 $0xFFFFD800  }
0x73: {  	s0 =	simm.s32 $0x0;
	[bflag:$0x0] =	sbarrier.arrive $0xFFFF  }
.LBB2_3:
0x74: {  	s4 =	sshll.u32 s0, $0xC  }
0x75: {  	s4 =	sadd.s32 s11, s4  }
0x76: {  	s4 =	sshrl.u32 s4, $0x3  }
0x77: {  	s10 =	sadd.s32 s6, s4  }
0x78: {  	[tilespmem:s3], [sflag:$0x3] =	stream.linear.gather [hbm4b:s10+s3], $0xC80, $0x38;
	[tilespmem:$0x1B000] =	vst v63  }
0x79: {  	_ =	swait.ge [sflag:s18], $0xC80  }
0x7a: {  	[sflag:s18] =	ssyncset.done $0x0  }
0x7b: {  	s4 =	sadd.s32 s7, s4;
	[sflag:s18] =	ssyncadd.s32 $0xFFFFF380  }
0x7c: {  	[tilespmem:s19], [sflag:$0x3] =	stream.linear.gather [hbm4b:s4+s3], $0xC80, $0x38;
	[tilespmem:$0x1B000] =	vst v63  }
0x7d: {  	_ =	swait.ge [sflag:s18], $0xC80  }
0x7e: {  	[sflag:s18] =	ssyncset.done $0x0  }
0x7f: {  	[sflag:s18] =	ssyncadd.s32 $0xFFFFF380  }
0x80: {  	[tilespmem:s21], [sflag:$0x1] =	stream.indirect.gather [hbm4b:s1+s20], $0x80, s3, s20, $0xb8;
	[tilespmem:$0x1B000] =	vst v63  }
0x81: {  	_ =	swait.ge [sflag:s22], $0x2800  }
0x82: {  	[sflag:s22] =	ssyncset.done $0x0  }
0x83: {  	[sflag:s22] =	ssyncadd.s32 $0xFFFFD800  }
0x84: {  	[tilespmem:s24], [sflag:$0x1] =	stream.indirect.gather [hbm4b:s1+s20], $0x80, s23, s20, $0xb8;
	[tilespmem:$0x1B000] =	vst v63  }
0x85: {  	_ = 	snop  }
0x86: {  	[spmem:s2] =	stream.indirect.scatter.add.f32 [tilespmem:s21], [sflag:$0x2], $0x80, s19, s20, $0xb8;
	[tilespmem:$0x1B000] =	vst v63  }
0x87: {  	_ =	swait.ge [sflag:s22], $0x2800  }
0x88: {  	[sflag:s22] =	ssyncset.done $0x0  }
0x89: {  	[sflag:s22] =	ssyncadd.s32 $0xFFFFD800  }
0x8a: {  	_ =	swait.ge [sflag:s25], $0x2800  }
0x8b: {  	[sflag:s25] =	ssyncset.done $0x0  }
0x8c: {  	[sflag:s25] =	ssyncadd.s32 $0xFFFFD800  }
0x8d: {  	[tilespmem:s21], [sflag:$0x1] =	stream.indirect.gather [hbm4b:s1+s20], $0x80, s26, s20, $0xb8;
	[tilespmem:$0x1B000] =	vst v63  }
0x8e: {  	_ = 	snop  }
0x8f: {  	[spmem:s2] =	stream.indirect.scatter.add.f32 [tilespmem:s24], [sflag:$0x2], $0x80, s28, s20, $0xb8;
	[tilespmem:$0x1B000] =	vst v63  }
0x90: {  	_ =	swait.ge [sflag:s22], $0x2800  }
0x91: {  	[sflag:s22] =	ssyncset.done $0x0  }
0x92: {  	[sflag:s22] =	ssyncadd.s32 $0xFFFFD800  }
0x93: {  	_ =	swait.ge [sflag:s25], $0x2800  }
0x94: {  	[sflag:s25] =	ssyncset.done $0x0  }
0x95: {  	s12 =	simm.s32 $0x180;
	[sflag:s25] =	ssyncadd.s32 $0xFFFFD800  }
0x96: {  	[tilespmem:s24], [sflag:$0x1] =	stream.indirect.gather [hbm4b:s1+s20], $0x80, s12, s20, $0xb8;
	[tilespmem:$0x1B000] =	vst v63  }
0x97: {  	s10 =	simm.s32 $0x1100  }
0x98: {  	[spmem:s2] =	stream.indirect.scatter.add.f32 [tilespmem:s21], [sflag:$0x2], $0x80, s10, s20, $0xb8;
	[tilespmem:$0x1B000] =	vst v63  }
0x99: {  	_ =	swait.ge [sflag:s22], $0x2800  }
0x9a: {  	[sflag:s22] =	ssyncset.done $0x0  }
0x9b: {  	[sflag:s22] =	ssyncadd.s32 $0xFFFFD800  }
0x9c: {  	_ =	swait.ge [sflag:s25], $0x2800  }
0x9d: {  	s4 =	simm.s32 $0xFFFFD800;
	[sflag:s25] =	ssyncset.done $0x0  }
0x9e: {  	s12 =	simm.s32 $0x200;
	s10 =	simm.s32 $0x1180;
	[sflag:s25] =	ssyncadd.s32 $0xFFFFD800  }
0x9f: {  	[tilespmem:s21], [sflag:$0x1] =	stream.indirect.gather [hbm4b:s1+s20], $0x80, s12, s20, $0xb8;
	[tilespmem:$0x1B000] =	vst v63  }
.LBB2_4:
0xa0: {  	[spmem:s2] =	stream.indirect.scatter.add.f32 [tilespmem:s24], [sflag:$0x2], $0x80, s10, s20, $0xb8;
	[tilespmem:$0x1B000] =	vst v63  }
0xa1: {  	s10 =	smov.u32 s4  }
0xa2: {  	p1 =	sne.s32 s4, $0xFFFFFC00;
	s4 =	sadd.s32 $0x400, s4;
	_ =	swait.ge [sflag:s22], $0x2800  }
0xa3: {  	[sflag:s22] =	ssyncset.done $0x0  }
0xa4: {  	[sflag:s22] =	ssyncadd.s32 $0xFFFFD800  }
0xa5: {  	_ =	swait.ge [sflag:s25], $0x2800  }
0xa6: {  	s10 =	sshra.s32 s10, $0x2;
	[sflag:s25] =	ssyncset.done $0x0  }
0xa7: {  	s12 =	sadd.s32 $0xC80, s10;
	[sflag:s25] =	ssyncadd.s32 $0xFFFFD800  }
0xa8: {  	[tilespmem:s24], [sflag:$0x1] =	stream.indirect.gather [hbm4b:s1+s20], $0x80, s12, s20, $0xb8;
	[tilespmem:$0x1B000] =	vst v63  }
0xa9: {  	s12 =	sadd.s32 $0x1C00, s10  }
0xaa: {  	[spmem:s2] =	stream.indirect.scatter.add.f32 [tilespmem:s21], [sflag:$0x2], $0x80, s12, s20, $0xb8;
	[tilespmem:$0x1B000] =	vst v63  }
0xab: {  	_ =	swait.ge [sflag:s22], $0x2800  }
0xac: {  	[sflag:s22] =	ssyncset.done $0x0  }
0xad: {  	[sflag:s22] =	ssyncadd.s32 $0xFFFFD800  }
.Ltmp6:
0xae: {  	_ =	swait.ge [sflag:s25], $0x2800;
	(pc) =	sbr.rel @p1 .LBB2_4-.Ltmp6, $4  }
0xaf: {  	[sflag:s25] =	ssyncset.done $0x0  }
0xb0: {  	s12 =	sadd.s32 $0xD00, s10;
	[sflag:s25] =	ssyncadd.s32 $0xFFFFD800  }
0xb1: {  	[tilespmem:s21], [sflag:$0x1] =	stream.indirect.gather [hbm4b:s1+s20], $0x80, s12, s20, $0xb8;
	[tilespmem:$0x1B000] =	vst v63  }
0xb2: {  	s10 =	sadd.s32 $0x1C80, s10  }
0xb3: {  	[spmem:s2] =	stream.indirect.scatter.add.f32 [tilespmem:s24], [sflag:$0x2], $0x80, s10, s20, $0xb8;
	[tilespmem:$0x1B000] =	vst v63  }
0xb4: {  	_ =	swait.ge [sflag:s22], $0x2800  }
0xb5: {  	[sflag:s22] =	ssyncset.done $0x0  }
0xb6: {  	s0 =	sadd.s32 $0x1, s0;
	[sflag:s22] =	ssyncadd.s32 $0xFFFFD800  }
0xb7: {  	[spmem:s2] =	stream.indirect.scatter.add.f32 [tilespmem:s21], [sflag:$0x2], $0x80, s29, s20, $0xb8;
	[tilespmem:$0x1B000] =	vst v63  }
0xb8: {  	p1 =	seq.s32 s0, $0x5;
	_ =	swait.ge [sflag:s25], $0x2800  }
.Ltmp7:
0xb9: {  	[sflag:s25] =	ssyncset.done $0x0;
	(pc) =	sbr.rel @!p1 .LBB2_3-.Ltmp7, $4  }
0xba: {  	[sflag:s25] =	ssyncadd.s32 $0xFFFFD800  }
0xbb: {  	_ =	swait.ge [sflag:s25], $0x2800  }
0xbc: {  	[sflag:s25] =	ssyncset.done $0x0  }
0xbd: {  	[sflag:s25] =	ssyncadd.s32 $0xFFFFD800  }
.Ltmp8:
0xbe: {  	(pc) =	sbr.rel .LBB2_12-.Ltmp8, $2  }
0xbf: {  	_ =	sdelay $0x2  }
0xc0: {  	s0 =	smov.u32 s9  }
.LBB2_13:
0xc1: {  	_ =	sfence.sel $0x180000  }
0xc2: {  	[bflag:$0x0] =	sbarrier.arrive $0xFFFF  }
0xc3: {  	_ =	strace $0x9000004A  }
0xc4: {  	s0 =	stileid.u32;
	[bflag:$0x2] =	sbarrier.arrive $0xFFFF  }
0xc5: {  	p0 =	sne.s32 s0, $0x0;
	s0 =	rddreg [dreg:$0x3]  }
0xc6: {  	s0 =	sadd.s32 @!p0 $0x100000, s0  }
0xc7: {  	[sflag:s0] =	ssyncadd.tile.s32 @!p0 $0x1;
	_ =	shalt  }
.Lfunc_end2:
_tile_overlayer_lowered:
.L_overlay_start_2:
0xc8: {  	(tag) =	ssettag $0x2  }
0xc9: {  	s0 =	rddreg [dreg:$0x0];
	s2 =	stileid.u32  }
0xca: {  	s1 =	rddreg [dreg:$0x1];
	p0 =	sne.s32 s2, $0x0  }
0xcb: {  	s3 =	rddreg [dreg:$0x2];
	[bflag:$0x3] =	sbarrier.arrive $0xFFFF;
	s2 =	simm.s32 @!p0 $0x1C03  }
0xcc: {  	[timem:s3], [sflag:s2] =	dma.local @!p0 [hbm:s0], s1  }
0xcd: {  	s0 =	simm.s32 @!p0 $0x3  }
0xce: {  	_ =	swait.ge @!p0 [sflag:s0], s1  }
0xcf: {  	s1 =	ssub.s32 @!p0 $0x0, s1;
	[sflag:s0] =	ssyncset.done @!p0 $0x0  }
0xd0: {  	[sflag:s0] =	ssyncadd.s32 @!p0 s1  }
0xd1: {  	[bflag:$0x3] =	sbarrier.arrive $0xFFFF  }
0xd2: {  	_ =	shalt  }

</sc_bundles>
